<compile_context>
chip_gen: v7x
topology: tpu7x:2x2x1
jax: 0.10.2.dev20260603
libtpu: 0.0.44.dev20260713+nightly
codegen_flags: <defaults>
</compile_context>

<pallas_src>
import functools

import jax
import jax.numpy as jnp
import numpy as np
from jax import lax
from jax.experimental import pallas as pl
from jax.experimental.pallas import tpu as pltpu
from jax.experimental.pallas import tpu_sc as plsc

_N = 16
_W = 384
_H = 384
_NUM_SAMPLES = 2000
_TOTAL = _N * _NUM_SAMPLES
_NS = 16
_NW = 32
_PAD = 32768
_HALF = 512
_NTASK = _PAD // _HALF
_LANES = 16
_HCHUNKS = _HALF // _LANES
_THRESH2 = float(np.float32(0.1) * np.float32(0.1))


def _prep_constants():
    key = jax.random.key(42)
    k1, k2, k3 = jax.random.split(key, 3)
    us, vs = [], []
    for k in (k1, k2, k3):
        ku, kv = jax.random.split(k)
        us.append(jax.random.randint(ku, (_N, _NUM_SAMPLES), 0, _W))
        vs.append(jax.random.randint(kv, (_N, _NUM_SAMPLES), 0, _H))
    boff = (jnp.arange(_N, dtype=jnp.int32) * (_W * _H))[:, None]
    idx = [(boff + u * _H + v).reshape(-1) for u, v in zip(us, vs)]
    uf = [(u.astype(jnp.float32) / _W).reshape(-1) for u in us]
    vf = [(v.astype(jnp.float32) / _H).reshape(-1) for v in vs]
    dx12 = uf[1] - uf[0]
    dy12 = vf[1] - vf[0]
    dx13 = uf[2] - uf[0]
    dy13 = vf[2] - vf[0]
    npad = _PAD - _TOTAL
    spread = (jnp.arange(npad, dtype=jnp.int32) * 16) % (_W * _H)

    def pad_idx(a, j):
        return jnp.concatenate([a, spread + j * 4096])

    def pad_zero(a):
        return jnp.concatenate([a, jnp.zeros((npad,), a.dtype)])

    return tuple(
        [pad_idx(idx[j], j) for j in range(3)]
        + [pad_zero(a) for a in (dx12, dy12, dx13, dy13)])


def _pack_constants(vals):
    i1, i2, i3, ax, ay, bx, by = vals
    icat = jnp.stack([v.reshape(_NTASK, _HALF) for v in (i1, i2, i3)],
                     axis=1).reshape(-1)
    geo = jnp.stack([v.reshape(_NTASK, _HALF) for v in (ax, ay, bx, by)],
                    axis=1).reshape(-1)
    return icat, geo


@functools.cache
def _host_constants():
    try:
        try:
            dev = jax.devices("cpu")[0]
        except RuntimeError:
            dev = None
        with jax.ensure_compile_time_eval():
            if dev is not None:
                with jax.default_device(dev):
                    vals = _pack_constants(_prep_constants())
            else:
                vals = _pack_constants(_prep_constants())
        return tuple(np.asarray(v) for v in jax.device_get(vals))
    except Exception:
        return None


def _rsqrt(s):
    i = lax.bitcast_convert_type(s, jnp.int32)
    i = jnp.int32(0x5F3759DF) - (i >> 1)
    y = lax.bitcast_convert_type(i, jnp.float32)
    for _ in range(3):
        y = y * (1.5 - 0.5 * s * y * y)
    return y


@functools.cache
def _make_sc_kernel():
    mesh = plsc.VectorSubcoreMesh(core_axis_name="c", subcore_axis_name="s")
    f32, i32 = jnp.float32, jnp.int32

    @functools.partial(
        pl.kernel,
        mesh=mesh,
        out_type=jax.ShapeDtypeStruct((_NW, 2 * _LANES), f32),
        scratch_types=[
            pltpu.VMEM((_HALF,), i32),
            pltpu.VMEM((_HALF,), i32),
            pltpu.VMEM((_HALF,), i32),
            pltpu.VMEM((_HALF,), i32),
            pltpu.VMEM((_HALF,), i32),
            pltpu.VMEM((_HALF,), i32),
            pltpu.VMEM((4 * _HALF,), f32),
            pltpu.VMEM((4 * _HALF,), f32),
            pltpu.VMEM((_HALF,), f32),
            pltpu.VMEM((_HALF,), f32),
            pltpu.VMEM((_HALF,), f32),
            pltpu.VMEM((_HALF,), f32),
            pltpu.VMEM((_HALF,), f32),
            pltpu.VMEM((_HALF,), f32),
            pltpu.VMEM((_HALF,), f32),
            pltpu.VMEM((_HALF,), f32),
            pltpu.VMEM((_HALF,), f32),
            pltpu.VMEM((_HALF,), f32),
            pltpu.VMEM((_HALF,), f32),
            pltpu.VMEM((_HALF,), f32),
            pltpu.VMEM((2 * _LANES,), f32),
            pltpu.SemaphoreType.DMA,
            pltpu.SemaphoreType.DMA,
            pltpu.SemaphoreType.DMA,
            pltpu.SemaphoreType.DMA,
            pltpu.SemaphoreType.DMA,
            pltpu.SemaphoreType.DMA,
        ],
    )
    def sc_kernel(pred_hbm, targ_hbm, icat_h, geo_h, out_h,
                  i1a, i2a, i3a, i1b, i2b, i3b, geo_a, geo_b,
                  gp1a, gp2a, gp3a, gt1a, gt2a, gt3a,
                  gp1b, gp2b, gp3b, gt1b, gt2b, gt3b,
                  acc, sem_i0, sem_i1,
                  sem_geo0, sem_geo1,
                  sem_g0, sem_g1):
        c = lax.axis_index("c")
        s = lax.axis_index("s")
        wid = c * _NS + s
        t0 = 2 * wid
        t1 = t0 + 1

        iset = ((i1a, i2a, i3a), (i1b, i2b, i3b))
        gset = ((gp1a, gp2a, gp3a, gt1a, gt2a, gt3a),
                (gp1b, gp2b, gp3b, gt1b, gt2b, gt3b))
        geos = (geo_a, geo_b)
        isems = (sem_i0, sem_i1)
        gsems = (sem_geo0, sem_geo1)
        dsems = (sem_g0, sem_g1)

        def idx_copies(t, k):
            ib = 3 * _HALF * t
            return [pltpu.make_async_copy(
                        icat_h.at[pl.ds(ib + j * _HALF, _HALF)],
                        iset[k % 2][j], isems[k])
                    for j in range(3)]

        def geo_copy(t, k):
            return pltpu.make_async_copy(
                geo_h.at[pl.ds(4 * _HALF * t, 4 * _HALF)], geos[k % 2],
                gsems[k])

        def gather_copies(k):
            ivs = iset[k % 2]
            gvs = gset[k % 2]
            cps = [pltpu.make_async_copy(pred_hbm.at[ivs[j]], gvs[j],
                                         dsems[k]) for j in range(3)]
            cps += [pltpu.make_async_copy(targ_hbm.at[ivs[j]], gvs[j + 3],
                                          dsems[k]) for j in range(3)]
            return cps

        def compute(k):
            gp1, gp2, gp3, gt1, gt2, gt3 = gset[k % 2]
            geo = geos[k % 2]

            def body(i, carry):
                s_acc, c_acc = carry
                off = i * _LANES
                d1p = gp1[pl.ds(off, _LANES)]
                d2p = gp2[pl.ds(off, _LANES)]
                d3p = gp3[pl.ds(off, _LANES)]
                t1v = gt1[pl.ds(off, _LANES)]
                t2v = gt2[pl.ds(off, _LANES)]
                t3v = gt3[pl.ds(off, _LANES)]
                ax = geo[pl.ds(off, _LANES)]
                ay = geo[pl.ds(_HALF + off, _LANES)]
                bx = geo[pl.ds(2 * _HALF + off, _LANES)]
                by = geo[pl.ds(3 * _HALF + off, _LANES)]
                e12t = t2v - t1v
                e13t = t3v - t1v
                e12p = d2p - d1p
                e13p = d3p - d1p
                cz = ax * by - ay * bx
                cxt = ay * e13t - e12t * by
                cyt = e12t * bx - ax * e13t
                cxp = ay * e13p - e12p * by
                cyp = e12p * bx - ax * e13p
                st = cxt * cxt + cyt * cyt + cz * cz
                sp = cxp * cxp + cyp * cyp + cz * cz
                mask = ((st > _THRESH2) & (t1v > 0.0)
                        & (t2v > 0.0) & (t3v > 0.0))
                ft = _rsqrt(jnp.maximum(st, 1e-24))
                fp = _rsqrt(jnp.maximum(sp, 1e-24))
                contrib = (jnp.abs(cxp * fp - cxt * ft)
                           + jnp.abs(cyp * fp - cyt * ft)
                           + jnp.abs(cz * fp - cz * ft))
                s_acc = s_acc + jnp.where(mask, contrib, 0.0)
                c_acc = c_acc + jnp.where(mask, 1.0, 0.0)
                return s_acc, c_acc

            zero = jnp.zeros((_LANES,), f32)
            s_acc, c_acc = lax.fori_loop(0, _HCHUNKS, body, (zero, zero))
            acc[pl.ds(0, _LANES)] = acc[pl.ds(0, _LANES)] + s_acc
            acc[pl.ds(_LANES, _LANES)] = (acc[pl.ds(_LANES, _LANES)]
                                          + c_acc)

        acc[pl.ds(0, _LANES)] = jnp.zeros((_LANES,), f32)
        acc[pl.ds(_LANES, _LANES)] = jnp.zeros((_LANES,), f32)

        for cp in idx_copies(t0, 0):
            cp.start()
        geo_copy(t0, 0).start()

        for cp in idx_copies(t1, 1):
            cp.start()
        geo_copy(t1, 1).start()

        for cp in idx_copies(t0, 0):
            cp.wait()
        for cp in gather_copies(0):
            cp.start()

        for cp in idx_copies(t1, 1):
            cp.wait()
        for cp in gather_copies(1):
            cp.start()

        for cp in gather_copies(0):
            cp.wait()
        geo_copy(t0, 0).wait()
        compute(0)

        for cp in gather_copies(1):
            cp.wait()
        geo_copy(t1, 1).wait()
        compute(1)

        pltpu.sync_copy(acc, out_h.at[wid])

    return sc_kernel


def _reduce_body(p_ref, o_ref):
    total = jnp.sum(p_ref[:, 0:_LANES])
    valid = jnp.sum(p_ref[:, _LANES:2 * _LANES])
    res = total / jnp.maximum(valid * 3.0, 1.0)
    o_ref[...] = jnp.reshape(res, (1, 1))


def kernel(pred, target):
    pred_f = pred.reshape(-1)
    targ_f = target.reshape(-1)
    consts = _host_constants()
    if consts is None:
        icat, geo = _pack_constants(_prep_constants())
    else:
        icat, geo = (jnp.asarray(c) for c in consts)
    parts = _make_sc_kernel()(pred_f, targ_f, icat, geo)
    out = pl.pallas_call(
        _reduce_body,
        out_shape=jax.ShapeDtypeStruct((1, 1), jnp.float32),
    )(parts)
    return out[0, 0]

# --- scband reference (transcript-rebuilt; emitter-appended) ---
"""Pipeline reference for scband-virtual-normal-loss-52226802320111 (READ-ONLY COPY).

The authoritative reference and input builder live on the scoring server;
editing this copy changes nothing except your own understanding.
"""

import jax, jax.numpy as jnp
import numpy as np

NUM_SAMPLES = 2000
DIST_THRESH = 0.1


def _get_points(key, pred, target, num_samples):
    n, c, w, h = target.shape
    ku, kv = jax.random.split(key)
    u = jax.random.randint(ku, (n, num_samples), 0, w)
    v = jax.random.randint(kv, (n, num_samples), 0, h)
    b = jnp.arange(n)[:, None]
    pred_d = pred[b, :, u, v]
    targ_d = target[b, :, u, v]
    uf = (u.astype(jnp.float32) / w)[..., None]
    vf = (v.astype(jnp.float32) / h)[..., None]
    p_pred = jnp.concatenate([uf, vf, pred_d], axis=-1)
    p_targ = jnp.concatenate([uf, vf, targ_d], axis=-1)
    return p_pred, p_targ


def _normalize(x, eps=1e-12):
    return x / jnp.maximum(jnp.linalg.norm(x, axis=-1, keepdims=True), eps)


def _vnl(pred, target, num_samples=NUM_SAMPLES, thresh=DIST_THRESH):
    key = jax.random.key(42)
    k1, k2, k3 = jax.random.split(key, 3)
    p1p, p1t = _get_points(k1, pred, target, num_samples)
    p2p, p2t = _get_points(k2, pred, target, num_samples)
    p3p, p3t = _get_points(k3, pred, target, num_samples)
    vec12_t = p2t - p1t
    vec13_t = p3t - p1t
    cross_t = jnp.cross(vec12_t, vec13_t)
    norm_t = jnp.linalg.norm(cross_t, axis=-1)
    mask = (norm_t > thresh) & (p1t[..., 2] > 0) & (p2t[..., 2] > 0) & (p3t[..., 2] > 0)
    vec12_p = p2p - p1p
    vec13_p = p3p - p1p
    cross_p = jnp.cross(vec12_p, vec13_p)
    n_t = _normalize(cross_t)
    n_p = _normalize(cross_p)
    m = jax.lax.stop_gradient(mask.astype(jnp.float32))[..., None]
    num_valid = jax.lax.stop_gradient(jnp.sum(mask).astype(jnp.float32))
    total = jnp.sum(jnp.abs(n_p - n_t) * m)
    denom = jnp.maximum(num_valid * 3.0, 1.0)
    return total / denom


def setup_inputs(seed: int = 0):
    key = jax.random.key(seed)
    kp, kt = jax.random.split(key)
    pred = jax.random.uniform(kp, (16, 1, 384, 384), dtype=jnp.float32)
    target = jax.random.uniform(kt, (16, 1, 384, 384), dtype=jnp.float32)
    return {"pred": pred, "target": target}


def reference(pred, target):
    return _vnl(pred, target)

if __name__ == "__main__":
    import jax
    _d = setup_inputs()
    print(jax.jit(kernel)(*tuple(_d.values())))

</pallas_src>

<mosaic_0001>
#map = affine_map<(d0, d1) -> (0)>
#map1 = affine_map<(d0, d1) -> (0, 0)>
module attributes {stable_mosaic.version = 14 : i64} {
  func.func @sc_kernel(%arg0: i32, %arg1: i32, %arg2: memref<2359296xf32, #tpu.memory_space<hbm>>, %arg3: memref<2359296xf32, #tpu.memory_space<hbm>>, %arg4: memref<98304xi32, #tpu.memory_space<hbm>>, %arg5: memref<131072xf32, #tpu.memory_space<hbm>>, %arg6: memref<32x32xf32, #tpu.memory_space<hbm>>, %arg7: memref<512xi32, #tpu.memory_space<vmem>>, %arg8: memref<512xi32, #tpu.memory_space<vmem>>, %arg9: memref<512xi32, #tpu.memory_space<vmem>>, %arg10: memref<512xi32, #tpu.memory_space<vmem>>, %arg11: memref<512xi32, #tpu.memory_space<vmem>>, %arg12: memref<512xi32, #tpu.memory_space<vmem>>, %arg13: memref<2048xf32, #tpu.memory_space<vmem>>, %arg14: memref<2048xf32, #tpu.memory_space<vmem>>, %arg15: memref<512xf32, #tpu.memory_space<vmem>>, %arg16: memref<512xf32, #tpu.memory_space<vmem>>, %arg17: memref<512xf32, #tpu.memory_space<vmem>>, %arg18: memref<512xf32, #tpu.memory_space<vmem>>, %arg19: memref<512xf32, #tpu.memory_space<vmem>>, %arg20: memref<512xf32, #tpu.memory_space<vmem>>, %arg21: memref<512xf32, #tpu.memory_space<vmem>>, %arg22: memref<512xf32, #tpu.memory_space<vmem>>, %arg23: memref<512xf32, #tpu.memory_space<vmem>>, %arg24: memref<512xf32, #tpu.memory_space<vmem>>, %arg25: memref<512xf32, #tpu.memory_space<vmem>>, %arg26: memref<512xf32, #tpu.memory_space<vmem>>, %arg27: memref<32xf32, #tpu.memory_space<vmem>>, %arg28: memref<!tpu.dma_semaphore, #tpu.memory_space<semaphore_mem>>, %arg29: memref<!tpu.dma_semaphore, #tpu.memory_space<semaphore_mem>>, %arg30: memref<!tpu.dma_semaphore, #tpu.memory_space<semaphore_mem>>, %arg31: memref<!tpu.dma_semaphore, #tpu.memory_space<semaphore_mem>>, %arg32: memref<!tpu.dma_semaphore, #tpu.memory_space<semaphore_mem>>, %arg33: memref<!tpu.dma_semaphore, #tpu.memory_space<semaphore_mem>>) attributes {dimension_semantics = [#tpu.dimension_semantics<core_parallel>, #tpu.dimension_semantics<subcore_parallel>], iteration_bounds = array<i64: 2, 16>, scalar_prefetch = 0 : i64, scratch_operands = 27 : i64, tpu.core_type = #tpu.core_type<sc_vector_subcore>, window_params = [{transform_indices = #map}, {transform_indices = #map}, {transform_indices = #map}, {transform_indices = #map}, {transform_indices = #map1}]} {
    %mul3A = arith.constant 16 : i32
    %mul3A_0 = arith.muli %arg0, %mul3A : i32
    %add3A = arith.addi %mul3A_0, %arg1 : i32
    %mul3A_1 = arith.constant 2 : i32
    %mul3A_2 = arith.muli %mul3A_1, %add3A : i32
    %add3A_3 = arith.constant 1 : i32
    %add3A_4 = arith.addi %mul3A_2, %add3A_3 : i32
    %broadcast_in_dim3A = arith.constant 0.000000e+00 : f32
    %broadcast_in_dim3A_5 = vector.broadcast %broadcast_in_dim3A : f32 to vector<16xf32>
    %swap3A = arith.constant 0 : index
    %swap3A_6 = tpu.vector_load %arg27[%swap3A] {strides = array<i32>} : memref<32xf32, #tpu.memory_space<vmem>>, vector<16xf32>,
    %swap3A_7 = vector.shape_cast %swap3A_6 : vector<16xf32> to vector<16xf32>
    %swap3A_8 = vector.shape_cast %broadcast_in_dim3A_5 : vector<16xf32> to vector<16xf32>
    tpu.vector_store %arg27[%swap3A], %swap3A_8 {strides = array<i32>} : memref<32xf32, #tpu.memory_space<vmem>>, vector<16xf32>,
    %broadcast_in_dim3A_9 = arith.constant 0.000000e+00 : f32
    %broadcast_in_dim3A_10 = vector.broadcast %broadcast_in_dim3A_9 : f32 to vector<16xf32>
    %swap3A_11 = arith.constant 16 : index
    %swap3A_12 = tpu.vector_load %arg27[%swap3A_11] {strides = array<i32>} : memref<32xf32, #tpu.memory_space<vmem>>, vector<16xf32>,
    %swap3A_13 = vector.shape_cast %swap3A_12 : vector<16xf32> to vector<16xf32>
    %swap3A_14 = vector.shape_cast %broadcast_in_dim3A_10 : vector<16xf32> to vector<16xf32>
    tpu.vector_store %arg27[%swap3A_11], %swap3A_14 {strides = array<i32>} : memref<32xf32, #tpu.memory_space<vmem>>, vector<16xf32>,
    %mul3A_15 = arith.constant 1536 : i32
    %mul3A_16 = arith.muli %mul3A_15, %mul3A_2 : i32
    %add3A_17 = arith.constant 0 : i32
    %add3A_18 = arith.addi %mul3A_16, %add3A_17 : i32
    %add3A_19 = arith.constant 512 : i32
    %add3A_20 = arith.addi %mul3A_16, %add3A_19 : i32
    %add3A_21 = arith.constant 1024 : i32
    %add3A_22 = arith.addi %mul3A_16, %add3A_21 : i32
    %dma_start3A = tpu.memref_slice %arg4[%add3A_18] : memref<98304xi32, #tpu.memory_space<hbm>> -> memref<512xi32, #tpu.memory_space<hbm>>
    %dma_start3A_23 = tpu.memref_slice %arg4[%add3A_18] : memref<98304xi32, #tpu.memory_space<hbm>> -> memref<512xi32, #tpu.memory_space<hbm>>
    tpu.enqueue_dma source(%dma_start3A_23 : memref<512xi32, #tpu.memory_space<hbm>>) target(%arg7 : memref<512xi32, #tpu.memory_space<vmem>>) target_semaphore(%arg28 : memref<!tpu.dma_semaphore, #tpu.memory_space<semaphore_mem>>)
    %dma_start3A_24 = tpu.memref_slice %arg4[%add3A_20] : memref<98304xi32, #tpu.memory_space<hbm>> -> memref<512xi32, #tpu.memory_space<hbm>>
    %dma_start3A_25 = tpu.memref_slice %arg4[%add3A_20] : memref<98304xi32, #tpu.memory_space<hbm>> -> memref<512xi32, #tpu.memory_space<hbm>>
    tpu.enqueue_dma source(%dma_start3A_25 : memref<512xi32, #tpu.memory_space<hbm>>) target(%arg8 : memref<512xi32, #tpu.memory_space<vmem>>) target_semaphore(%arg28 : memref<!tpu.dma_semaphore, #tpu.memory_space<semaphore_mem>>)
    %dma_start3A_26 = tpu.memref_slice %arg4[%add3A_22] : memref<98304xi32, #tpu.memory_space<hbm>> -> memref<512xi32, #tpu.memory_space<hbm>>
    %dma_start3A_27 = tpu.memref_slice %arg4[%add3A_22] : memref<98304xi32, #tpu.memory_space<hbm>> -> memref<512xi32, #tpu.memory_space<hbm>>
    tpu.enqueue_dma source(%dma_start3A_27 : memref<512xi32, #tpu.memory_space<hbm>>) target(%arg9 : memref<512xi32, #tpu.memory_space<vmem>>) target_semaphore(%arg28 : memref<!tpu.dma_semaphore, #tpu.memory_space<semaphore_mem>>)
    %mul3A_28 = arith.constant 2048 : i32
    %mul3A_29 = arith.muli %mul3A_28, %mul3A_2 : i32
    %dma_start3A_30 = tpu.memref_slice %arg5[%mul3A_29] : memref<131072xf32, #tpu.memory_space<hbm>> -> memref<2048xf32, #tpu.memory_space<hbm>>
    %dma_start3A_31 = tpu.memref_slice %arg5[%mul3A_29] : memref<131072xf32, #tpu.memory_space<hbm>> -> memref<2048xf32, #tpu.memory_space<hbm>>
    tpu.enqueue_dma source(%dma_start3A_31 : memref<2048xf32, #tpu.memory_space<hbm>>) target(%arg13 : memref<2048xf32, #tpu.memory_space<vmem>>) target_semaphore(%arg30 : memref<!tpu.dma_semaphore, #tpu.memory_space<semaphore_mem>>)
    %mul3A_32 = arith.constant 1536 : i32
    %mul3A_33 = arith.muli %mul3A_32, %add3A_4 : i32
    %add3A_34 = arith.constant 0 : i32
    %add3A_35 = arith.addi %mul3A_33, %add3A_34 : i32
    %add3A_36 = arith.constant 512 : i32
    %add3A_37 = arith.addi %mul3A_33, %add3A_36 : i32
    %add3A_38 = arith.constant 1024 : i32
    %add3A_39 = arith.addi %mul3A_33, %add3A_38 : i32
    %dma_start3A_40 = tpu.memref_slice %arg4[%add3A_35] : memref<98304xi32, #tpu.memory_space<hbm>> -> memref<512xi32, #tpu.memory_space<hbm>>
    %dma_start3A_41 = tpu.memref_slice %arg4[%add3A_35] : memref<98304xi32, #tpu.memory_space<hbm>> -> memref<512xi32, #tpu.memory_space<hbm>>
    tpu.enqueue_dma source(%dma_start3A_41 : memref<512xi32, #tpu.memory_space<hbm>>) target(%arg10 : memref<512xi32, #tpu.memory_space<vmem>>) target_semaphore(%arg29 : memref<!tpu.dma_semaphore, #tpu.memory_space<semaphore_mem>>)
    %dma_start3A_42 = tpu.memref_slice %arg4[%add3A_37] : memref<98304xi32, #tpu.memory_space<hbm>> -> memref<512xi32, #tpu.memory_space<hbm>>
    %dma_start3A_43 = tpu.memref_slice %arg4[%add3A_37] : memref<98304xi32, #tpu.memory_space<hbm>> -> memref<512xi32, #tpu.memory_space<hbm>>
    tpu.enqueue_dma source(%dma_start3A_43 : memref<512xi32, #tpu.memory_space<hbm>>) target(%arg11 : memref<512xi32, #tpu.memory_space<vmem>>) target_semaphore(%arg29 : memref<!tpu.dma_semaphore, #tpu.memory_space<semaphore_mem>>)
    %dma_start3A_44 = tpu.memref_slice %arg4[%add3A_39] : memref<98304xi32, #tpu.memory_space<hbm>> -> memref<512xi32, #tpu.memory_space<hbm>>
    %dma_start3A_45 = tpu.memref_slice %arg4[%add3A_39] : memref<98304xi32, #tpu.memory_space<hbm>> -> memref<512xi32, #tpu.memory_space<hbm>>
    tpu.enqueue_dma source(%dma_start3A_45 : memref<512xi32, #tpu.memory_space<hbm>>) target(%arg12 : memref<512xi32, #tpu.memory_space<vmem>>) target_semaphore(%arg29 : memref<!tpu.dma_semaphore, #tpu.memory_space<semaphore_mem>>)
    %mul3A_46 = arith.constant 2048 : i32
    %mul3A_47 = arith.muli %mul3A_46, %add3A_4 : i32
    %dma_start3A_48 = tpu.memref_slice %arg5[%mul3A_47] : memref<131072xf32, #tpu.memory_space<hbm>> -> memref<2048xf32, #tpu.memory_space<hbm>>
    %dma_start3A_49 = tpu.memref_slice %arg5[%mul3A_47] : memref<131072xf32, #tpu.memory_space<hbm>> -> memref<2048xf32, #tpu.memory_space<hbm>>
    tpu.enqueue_dma source(%dma_start3A_49 : memref<2048xf32, #tpu.memory_space<hbm>>) target(%arg14 : memref<2048xf32, #tpu.memory_space<vmem>>) target_semaphore(%arg31 : memref<!tpu.dma_semaphore, #tpu.memory_space<semaphore_mem>>)
    %mul3A_50 = arith.constant 1536 : i32
    %mul3A_51 = arith.muli %mul3A_50, %mul3A_2 : i32
    %add3A_52 = arith.constant 0 : i32
    %add3A_53 = arith.addi %mul3A_51, %add3A_52 : i32
    %add3A_54 = arith.constant 512 : i32
    %add3A_55 = arith.addi %mul3A_51, %add3A_54 : i32
    %add3A_56 = arith.constant 1024 : i32
    %add3A_57 = arith.addi %mul3A_51, %add3A_56 : i32
    %dma_wait3A = tpu.memref_slice %arg4[%add3A_53] : memref<98304xi32, #tpu.memory_space<hbm>> -> memref<512xi32, #tpu.memory_space<hbm>>
    %dma_wait3A_58 = tpu.memref_slice %arg4[%add3A_53] : memref<98304xi32, #tpu.memory_space<hbm>> -> memref<512xi32, #tpu.memory_space<hbm>>
    tpu.wait_dma2 semaphore(%arg28 : memref<!tpu.dma_semaphore, #tpu.memory_space<semaphore_mem>>) src(%dma_wait3A_58 : memref<512xi32, #tpu.memory_space<hbm>>) dst(%arg7 : memref<512xi32, #tpu.memory_space<vmem>>)
    %dma_wait3A_59 = tpu.memref_slice %arg4[%add3A_55] : memref<98304xi32, #tpu.memory_space<hbm>> -> memref<512xi32, #tpu.memory_space<hbm>>
    %dma_wait3A_60 = tpu.memref_slice %arg4[%add3A_55] : memref<98304xi32, #tpu.memory_space<hbm>> -> memref<512xi32, #tpu.memory_space<hbm>>
    tpu.wait_dma2 semaphore(%arg28 : memref<!tpu.dma_semaphore, #tpu.memory_space<semaphore_mem>>) src(%dma_wait3A_60 : memref<512xi32, #tpu.memory_space<hbm>>) dst(%arg8 : memref<512xi32, #tpu.memory_space<vmem>>)
    %dma_wait3A_61 = tpu.memref_slice %arg4[%add3A_57] : memref<98304xi32, #tpu.memory_space<hbm>> -> memref<512xi32, #tpu.memory_space<hbm>>
    %dma_wait3A_62 = tpu.memref_slice %arg4[%add3A_57] : memref<98304xi32, #tpu.memory_space<hbm>> -> memref<512xi32, #tpu.memory_space<hbm>>
    tpu.wait_dma2 semaphore(%arg28 : memref<!tpu.dma_semaphore, #tpu.memory_space<semaphore_mem>>) src(%dma_wait3A_62 : memref<512xi32, #tpu.memory_space<hbm>>) dst(%arg9 : memref<512xi32, #tpu.memory_space<vmem>>)
    %dma_start3A_63 = arith.constant 0 : i32
    %dma_start3A_64 = tpu.memref_slice %arg2[%dma_start3A_63] : memref<2359296xf32, #tpu.memory_space<hbm>> -> memref<2359296xf32, #tpu.memory_space<hbm>>
    tpu.enqueue_indirect_dma source(%dma_start3A_64 : memref<2359296xf32, #tpu.memory_space<hbm>>) target(%arg15 : memref<512xf32, #tpu.memory_space<vmem>>) offsets(%arg7 : memref<512xi32, #tpu.memory_space<vmem>>) semaphore(%arg32 : memref<!tpu.dma_semaphore, #tpu.memory_space<semaphore_mem>>)
    %dma_start3A_65 = arith.constant 0 : i32
    %dma_start3A_66 = tpu.memref_slice %arg2[%dma_start3A_65] : memref<2359296xf32, #tpu.memory_space<hbm>> -> memref<2359296xf32, #tpu.memory_space<hbm>>
    tpu.enqueue_indirect_dma source(%dma_start3A_66 : memref<2359296xf32, #tpu.memory_space<hbm>>) target(%arg16 : memref<512xf32, #tpu.memory_space<vmem>>) offsets(%arg8 : memref<512xi32, #tpu.memory_space<vmem>>) semaphore(%arg32 : memref<!tpu.dma_semaphore, #tpu.memory_space<semaphore_mem>>)
    %dma_start3A_67 = arith.constant 0 : i32
    %dma_start3A_68 = tpu.memref_slice %arg2[%dma_start3A_67] : memref<2359296xf32, #tpu.memory_space<hbm>> -> memref<2359296xf32, #tpu.memory_space<hbm>>
    tpu.enqueue_indirect_dma source(%dma_start3A_68 : memref<2359296xf32, #tpu.memory_space<hbm>>) target(%arg17 : memref<512xf32, #tpu.memory_space<vmem>>) offsets(%arg9 : memref<512xi32, #tpu.memory_space<vmem>>) semaphore(%arg32 : memref<!tpu.dma_semaphore, #tpu.memory_space<semaphore_mem>>)
    %dma_start3A_69 = arith.constant 0 : i32
    %dma_start3A_70 = tpu.memref_slice %arg3[%dma_start3A_69] : memref<2359296xf32, #tpu.memory_space<hbm>> -> memref<2359296xf32, #tpu.memory_space<hbm>>
    tpu.enqueue_indirect_dma source(%dma_start3A_70 : memref<2359296xf32, #tpu.memory_space<hbm>>) target(%arg18 : memref<512xf32, #tpu.memory_space<vmem>>) offsets(%arg7 : memref<512xi32, #tpu.memory_space<vmem>>) semaphore(%arg32 : memref<!tpu.dma_semaphore, #tpu.memory_space<semaphore_mem>>)
    %dma_start3A_71 = arith.constant 0 : i32
    %dma_start3A_72 = tpu.memref_slice %arg3[%dma_start3A_71] : memref<2359296xf32, #tpu.memory_space<hbm>> -> memref<2359296xf32, #tpu.memory_space<hbm>>
    tpu.enqueue_indirect_dma source(%dma_start3A_72 : memref<2359296xf32, #tpu.memory_space<hbm>>) target(%arg19 : memref<512xf32, #tpu.memory_space<vmem>>) offsets(%arg8 : memref<512xi32, #tpu.memory_space<vmem>>) semaphore(%arg32 : memref<!tpu.dma_semaphore, #tpu.memory_space<semaphore_mem>>)
    %dma_start3A_73 = arith.constant 0 : i32
    %dma_start3A_74 = tpu.memref_slice %arg3[%dma_start3A_73] : memref<2359296xf32, #tpu.memory_space<hbm>> -> memref<2359296xf32, #tpu.memory_space<hbm>>
    tpu.enqueue_indirect_dma source(%dma_start3A_74 : memref<2359296xf32, #tpu.memory_space<hbm>>) target(%arg20 : memref<512xf32, #tpu.memory_space<vmem>>) offsets(%arg9 : memref<512xi32, #tpu.memory_space<vmem>>) semaphore(%arg32 : memref<!tpu.dma_semaphore, #tpu.memory_space<semaphore_mem>>)
    %mul3A_75 = arith.constant 1536 : i32
    %mul3A_76 = arith.muli %mul3A_75, %add3A_4 : i32
    %add3A_77 = arith.constant 0 : i32
    %add3A_78 = arith.addi %mul3A_76, %add3A_77 : i32
    %add3A_79 = arith.constant 512 : i32
    %add3A_80 = arith.addi %mul3A_76, %add3A_79 : i32
    %add3A_81 = arith.constant 1024 : i32
    %add3A_82 = arith.addi %mul3A_76, %add3A_81 : i32
    %dma_wait3A_83 = tpu.memref_slice %arg4[%add3A_78] : memref<98304xi32, #tpu.memory_space<hbm>> -> memref<512xi32, #tpu.memory_space<hbm>>
    %dma_wait3A_84 = tpu.memref_slice %arg4[%add3A_78] : memref<98304xi32, #tpu.memory_space<hbm>> -> memref<512xi32, #tpu.memory_space<hbm>>
    tpu.wait_dma2 semaphore(%arg29 : memref<!tpu.dma_semaphore, #tpu.memory_space<semaphore_mem>>) src(%dma_wait3A_84 : memref<512xi32, #tpu.memory_space<hbm>>) dst(%arg10 : memref<512xi32, #tpu.memory_space<vmem>>)
    %dma_wait3A_85 = tpu.memref_slice %arg4[%add3A_80] : memref<98304xi32, #tpu.memory_space<hbm>> -> memref<512xi32, #tpu.memory_space<hbm>>
    %dma_wait3A_86 = tpu.memref_slice %arg4[%add3A_80] : memref<98304xi32, #tpu.memory_space<hbm>> -> memref<512xi32, #tpu.memory_space<hbm>>
    tpu.wait_dma2 semaphore(%arg29 : memref<!tpu.dma_semaphore, #tpu.memory_space<semaphore_mem>>) src(%dma_wait3A_86 : memref<512xi32, #tpu.memory_space<hbm>>) dst(%arg11 : memref<512xi32, #tpu.memory_space<vmem>>)
    %dma_wait3A_87 = tpu.memref_slice %arg4[%add3A_82] : memref<98304xi32, #tpu.memory_space<hbm>> -> memref<512xi32, #tpu.memory_space<hbm>>
    %dma_wait3A_88 = tpu.memref_slice %arg4[%add3A_82] : memref<98304xi32, #tpu.memory_space<hbm>> -> memref<512xi32, #tpu.memory_space<hbm>>
    tpu.wait_dma2 semaphore(%arg29 : memref<!tpu.dma_semaphore, #tpu.memory_space<semaphore_mem>>) src(%dma_wait3A_88 : memref<512xi32, #tpu.memory_space<hbm>>) dst(%arg12 : memref<512xi32, #tpu.memory_space<vmem>>)
    %dma_start3A_89 = arith.constant 0 : i32
    %dma_start3A_90 = tpu.memref_slice %arg2[%dma_start3A_89] : memref<2359296xf32, #tpu.memory_space<hbm>> -> memref<2359296xf32, #tpu.memory_space<hbm>>
    tpu.enqueue_indirect_dma source(%dma_start3A_90 : memref<2359296xf32, #tpu.memory_space<hbm>>) target(%arg21 : memref<512xf32, #tpu.memory_space<vmem>>) offsets(%arg10 : memref<512xi32, #tpu.memory_space<vmem>>) semaphore(%arg33 : memref<!tpu.dma_semaphore, #tpu.memory_space<semaphore_mem>>)
    %dma_start3A_91 = arith.constant 0 : i32
    %dma_start3A_92 = tpu.memref_slice %arg2[%dma_start3A_91] : memref<2359296xf32, #tpu.memory_space<hbm>> -> memref<2359296xf32, #tpu.memory_space<hbm>>
    tpu.enqueue_indirect_dma source(%dma_start3A_92 : memref<2359296xf32, #tpu.memory_space<hbm>>) target(%arg22 : memref<512xf32, #tpu.memory_space<vmem>>) offsets(%arg11 : memref<512xi32, #tpu.memory_space<vmem>>) semaphore(%arg33 : memref<!tpu.dma_semaphore, #tpu.memory_space<semaphore_mem>>)
    %dma_start3A_93 = arith.constant 0 : i32
    %dma_start3A_94 = tpu.memref_slice %arg2[%dma_start3A_93] : memref<2359296xf32, #tpu.memory_space<hbm>> -> memref<2359296xf32, #tpu.memory_space<hbm>>
    tpu.enqueue_indirect_dma source(%dma_start3A_94 : memref<2359296xf32, #tpu.memory_space<hbm>>) target(%arg23 : memref<512xf32, #tpu.memory_space<vmem>>) offsets(%arg12 : memref<512xi32, #tpu.memory_space<vmem>>) semaphore(%arg33 : memref<!tpu.dma_semaphore, #tpu.memory_space<semaphore_mem>>)
    %dma_start3A_95 = arith.constant 0 : i32
    %dma_start3A_96 = tpu.memref_slice %arg3[%dma_start3A_95] : memref<2359296xf32, #tpu.memory_space<hbm>> -> memref<2359296xf32, #tpu.memory_space<hbm>>
    tpu.enqueue_indirect_dma source(%dma_start3A_96 : memref<2359296xf32, #tpu.memory_space<hbm>>) target(%arg24 : memref<512xf32, #tpu.memory_space<vmem>>) offsets(%arg10 : memref<512xi32, #tpu.memory_space<vmem>>) semaphore(%arg33 : memref<!tpu.dma_semaphore, #tpu.memory_space<semaphore_mem>>)
    %dma_start3A_97 = arith.constant 0 : i32
    %dma_start3A_98 = tpu.memref_slice %arg3[%dma_start3A_97] : memref<2359296xf32, #tpu.memory_space<hbm>> -> memref<2359296xf32, #tpu.memory_space<hbm>>
    tpu.enqueue_indirect_dma source(%dma_start3A_98 : memref<2359296xf32, #tpu.memory_space<hbm>>) target(%arg25 : memref<512xf32, #tpu.memory_space<vmem>>) offsets(%arg11 : memref<512xi32, #tpu.memory_space<vmem>>) semaphore(%arg33 : memref<!tpu.dma_semaphore, #tpu.memory_space<semaphore_mem>>)
    %dma_start3A_99 = arith.constant 0 : i32
    %dma_start3A_100 = tpu.memref_slice %arg3[%dma_start3A_99] : memref<2359296xf32, #tpu.memory_space<hbm>> -> memref<2359296xf32, #tpu.memory_space<hbm>>
    tpu.enqueue_indirect_dma source(%dma_start3A_100 : memref<2359296xf32, #tpu.memory_space<hbm>>) target(%arg26 : memref<512xf32, #tpu.memory_space<vmem>>) offsets(%arg12 : memref<512xi32, #tpu.memory_space<vmem>>) semaphore(%arg33 : memref<!tpu.dma_semaphore, #tpu.memory_space<semaphore_mem>>)
    %dma_wait3A_101 = arith.constant 0 : i32
    %dma_wait3A_102 = tpu.memref_slice %arg2[%dma_wait3A_101] : memref<2359296xf32, #tpu.memory_space<hbm>> -> memref<2359296xf32, #tpu.memory_space<hbm>>
    tpu.wait_indirect_dma semaphore(%arg32 : memref<!tpu.dma_semaphore, #tpu.memory_space<semaphore_mem>>) src(%dma_wait3A_102 : memref<2359296xf32, #tpu.memory_space<hbm>>) dst(%arg15 : memref<512xf32, #tpu.memory_space<vmem>>)
    %dma_wait3A_103 = arith.constant 0 : i32
    %dma_wait3A_104 = tpu.memref_slice %arg2[%dma_wait3A_103] : memref<2359296xf32, #tpu.memory_space<hbm>> -> memref<2359296xf32, #tpu.memory_space<hbm>>
    tpu.wait_indirect_dma semaphore(%arg32 : memref<!tpu.dma_semaphore, #tpu.memory_space<semaphore_mem>>) src(%dma_wait3A_104 : memref<2359296xf32, #tpu.memory_space<hbm>>) dst(%arg16 : memref<512xf32, #tpu.memory_space<vmem>>)
    %dma_wait3A_105 = arith.constant 0 : i32
    %dma_wait3A_106 = tpu.memref_slice %arg2[%dma_wait3A_105] : memref<2359296xf32, #tpu.memory_space<hbm>> -> memref<2359296xf32, #tpu.memory_space<hbm>>
    tpu.wait_indirect_dma semaphore(%arg32 : memref<!tpu.dma_semaphore, #tpu.memory_space<semaphore_mem>>) src(%dma_wait3A_106 : memref<2359296xf32, #tpu.memory_space<hbm>>) dst(%arg17 : memref<512xf32, #tpu.memory_space<vmem>>)
    %dma_wait3A_107 = arith.constant 0 : i32
    %dma_wait3A_108 = tpu.memref_slice %arg3[%dma_wait3A_107] : memref<2359296xf32, #tpu.memory_space<hbm>> -> memref<2359296xf32, #tpu.memory_space<hbm>>
    tpu.wait_indirect_dma semaphore(%arg32 : memref<!tpu.dma_semaphore, #tpu.memory_space<semaphore_mem>>) src(%dma_wait3A_108 : memref<2359296xf32, #tpu.memory_space<hbm>>) dst(%arg18 : memref<512xf32, #tpu.memory_space<vmem>>)
    %dma_wait3A_109 = arith.constant 0 : i32
    %dma_wait3A_110 = tpu.memref_slice %arg3[%dma_wait3A_109] : memref<2359296xf32, #tpu.memory_space<hbm>> -> memref<2359296xf32, #tpu.memory_space<hbm>>
    tpu.wait_indirect_dma semaphore(%arg32 : memref<!tpu.dma_semaphore, #tpu.memory_space<semaphore_mem>>) src(%dma_wait3A_110 : memref<2359296xf32, #tpu.memory_space<hbm>>) dst(%arg19 : memref<512xf32, #tpu.memory_space<vmem>>)
    %dma_wait3A_111 = arith.constant 0 : i32
    %dma_wait3A_112 = tpu.memref_slice %arg3[%dma_wait3A_111] : memref<2359296xf32, #tpu.memory_space<hbm>> -> memref<2359296xf32, #tpu.memory_space<hbm>>
    tpu.wait_indirect_dma semaphore(%arg32 : memref<!tpu.dma_semaphore, #tpu.memory_space<semaphore_mem>>) src(%dma_wait3A_112 : memref<2359296xf32, #tpu.memory_space<hbm>>) dst(%arg20 : memref<512xf32, #tpu.memory_space<vmem>>)
    %mul3A_113 = arith.constant 2048 : i32
    %mul3A_114 = arith.muli %mul3A_113, %mul3A_2 : i32
    %dma_wait3A_115 = tpu.memref_slice %arg5[%mul3A_114] : memref<131072xf32, #tpu.memory_space<hbm>> -> memref<2048xf32, #tpu.memory_space<hbm>>
    %dma_wait3A_116 = tpu.memref_slice %arg5[%mul3A_114] : memref<131072xf32, #tpu.memory_space<hbm>> -> memref<2048xf32, #tpu.memory_space<hbm>>
    tpu.wait_dma2 semaphore(%arg30 : memref<!tpu.dma_semaphore, #tpu.memory_space<semaphore_mem>>) src(%dma_wait3A_116 : memref<2048xf32, #tpu.memory_space<hbm>>) dst(%arg13 : memref<2048xf32, #tpu.memory_space<vmem>>)
    %broadcast_in_dim3A_117 = arith.constant 0.000000e+00 : f32
    %broadcast_in_dim3A_118 = vector.broadcast %broadcast_in_dim3A_117 : f32 to vector<16xf32>
    %scan3A = arith.constant 0 : i32
    %scan3A_119 = arith.constant 32 : i32
    %scan3A_120 = arith.addi %scan3A, %scan3A_119 : i32
    %scan3A_121 = arith.constant 1 : i32
    %scan3A_122:2 = scf.for %scan3A_179 = %scan3A to %scan3A_120 step %scan3A_121 iter_args(%scan3A_180 = %broadcast_in_dim3A_118, %scan3A_181 = %broadcast_in_dim3A_118) -> (vector<16xf32>, vector<16xf32>)  : i32 {
      %mul3A_182 = arith.constant 16 : i32
      %mul3A_183 = arith.muli %scan3A_179, %mul3A_182 : i32
      %get3A_184 = arith.index_cast %mul3A_183 : i32 to index
      %get3A_185 = tpu.vector_load %arg15[%get3A_184] {strides = array<i32>} : memref<512xf32, #tpu.memory_space<vmem>>, vector<16xf32>,
      %get3A_186 = vector.shape_cast %get3A_185 : vector<16xf32> to vector<16xf32>
      %get3A_187 = arith.index_cast %mul3A_183 : i32 to index
      %get3A_188 = tpu.vector_load %arg16[%get3A_187] {strides = array<i32>} : memref<512xf32, #tpu.memory_space<vmem>>, vector<16xf32>,
      %get3A_189 = vector.shape_cast %get3A_188 : vector<16xf32> to vector<16xf32>
      %get3A_190 = arith.index_cast %mul3A_183 : i32 to index
      %get3A_191 = tpu.vector_load %arg17[%get3A_190] {strides = array<i32>} : memref<512xf32, #tpu.memory_space<vmem>>, vector<16xf32>,
      %get3A_192 = vector.shape_cast %get3A_191 : vector<16xf32> to vector<16xf32>
      %get3A_193 = arith.index_cast %mul3A_183 : i32 to index
      %get3A_194 = tpu.vector_load %arg18[%get3A_193] {strides = array<i32>} : memref<512xf32, #tpu.memory_space<vmem>>, vector<16xf32>,
      %get3A_195 = vector.shape_cast %get3A_194 : vector<16xf32> to vector<16xf32>
      %get3A_196 = arith.index_cast %mul3A_183 : i32 to index
      %get3A_197 = tpu.vector_load %arg19[%get3A_196] {strides = array<i32>} : memref<512xf32, #tpu.memory_space<vmem>>, vector<16xf32>,
      %get3A_198 = vector.shape_cast %get3A_197 : vector<16xf32> to vector<16xf32>
      %get3A_199 = arith.index_cast %mul3A_183 : i32 to index
      %get3A_200 = tpu.vector_load %arg20[%get3A_199] {strides = array<i32>} : memref<512xf32, #tpu.memory_space<vmem>>, vector<16xf32>,
      %get3A_201 = vector.shape_cast %get3A_200 : vector<16xf32> to vector<16xf32>
      %get3A_202 = arith.index_cast %mul3A_183 : i32 to index
      %get3A_203 = tpu.vector_load %arg13[%get3A_202] {strides = array<i32>} : memref<2048xf32, #tpu.memory_space<vmem>>, vector<16xf32>,
      %get3A_204 = vector.shape_cast %get3A_203 : vector<16xf32> to vector<16xf32>
      %add3A_205 = arith.constant 512 : i32
      %add3A_206 = arith.addi %add3A_205, %mul3A_183 : i32
      %get3A_207 = arith.index_cast %add3A_206 : i32 to index
      %get3A_208 = tpu.vector_load %arg13[%get3A_207] {strides = array<i32>} : memref<2048xf32, #tpu.memory_space<vmem>>, vector<16xf32>,
      %get3A_209 = vector.shape_cast %get3A_208 : vector<16xf32> to vector<16xf32>
      %add3A_210 = arith.constant 1024 : i32
      %add3A_211 = arith.addi %add3A_210, %mul3A_183 : i32
      %get3A_212 = arith.index_cast %add3A_211 : i32 to index
      %get3A_213 = tpu.vector_load %arg13[%get3A_212] {strides = array<i32>} : memref<2048xf32, #tpu.memory_space<vmem>>, vector<16xf32>,
      %get3A_214 = vector.shape_cast %get3A_213 : vector<16xf32> to vector<16xf32>
      %add3A_215 = arith.constant 1536 : i32
      %add3A_216 = arith.addi %add3A_215, %mul3A_183 : i32
      %get3A_217 = arith.index_cast %add3A_216 : i32 to index
      %get3A_218 = tpu.vector_load %arg13[%get3A_217] {strides = array<i32>} : memref<2048xf32, #tpu.memory_space<vmem>>, vector<16xf32>,
      %get3A_219 = vector.shape_cast %get3A_218 : vector<16xf32> to vector<16xf32>
      %sub3A = arith.subf %get3A_198, %get3A_195 : vector<16xf32>
      %sub3A_220 = arith.subf %get3A_201, %get3A_195 : vector<16xf32>
      %sub3A_221 = arith.subf %get3A_189, %get3A_186 : vector<16xf32>
      %sub3A_222 = arith.subf %get3A_192, %get3A_186 : vector<16xf32>
      %mul3A_223 = arith.mulf %get3A_204, %get3A_219 : vector<16xf32>
      %mul3A_224 = arith.mulf %get3A_209, %get3A_214 : vector<16xf32>
      %sub3A_225 = arith.subf %mul3A_223, %mul3A_224 : vector<16xf32>
      %mul3A_226 = arith.mulf %get3A_209, %sub3A_220 : vector<16xf32>
      %mul3A_227 = arith.mulf %sub3A, %get3A_219 : vector<16xf32>
      %sub3A_228 = arith.subf %mul3A_226, %mul3A_227 : vector<16xf32>
      %mul3A_229 = arith.mulf %sub3A, %get3A_214 : vector<16xf32>
      %mul3A_230 = arith.mulf %get3A_204, %sub3A_220 : vector<16xf32>
      %sub3A_231 = arith.subf %mul3A_229, %mul3A_230 : vector<16xf32>
      %mul3A_232 = arith.mulf %get3A_209, %sub3A_222 : vector<16xf32>
      %mul3A_233 = arith.mulf %sub3A_221, %get3A_219 : vector<16xf32>
      %sub3A_234 = arith.subf %mul3A_232, %mul3A_233 : vector<16xf32>
      %mul3A_235 = arith.mulf %sub3A_221, %get3A_214 : vector<16xf32>
      %mul3A_236 = arith.mulf %get3A_204, %sub3A_222 : vector<16xf32>
      %sub3A_237 = arith.subf %mul3A_235, %mul3A_236 : vector<16xf32>
      %mul3A_238 = arith.mulf %sub3A_228, %sub3A_228 : vector<16xf32>
      %mul3A_239 = arith.mulf %sub3A_231, %sub3A_231 : vector<16xf32>
      %add3A_240 = arith.addf %mul3A_238, %mul3A_239 : vector<16xf32>
      %mul3A_241 = arith.mulf %sub3A_225, %sub3A_225 : vector<16xf32>
      %add3A_242 = arith.addf %add3A_240, %mul3A_241 : vector<16xf32>
      %mul3A_243 = arith.mulf %sub3A_234, %sub3A_234 : vector<16xf32>
      %mul3A_244 = arith.mulf %sub3A_237, %sub3A_237 : vector<16xf32>
      %add3A_245 = arith.addf %mul3A_243, %mul3A_244 : vector<16xf32>
      %mul3A_246 = arith.mulf %sub3A_225, %sub3A_225 : vector<16xf32>
      %add3A_247 = arith.addf %add3A_245, %mul3A_246 : vector<16xf32>
      %gt3A = arith.constant 0.0100000007 : f32
      %gt3A_248 = vector.broadcast %gt3A : f32 to vector<16xf32>
      %gt3A_249 = arith.cmpf ogt, %add3A_242, %gt3A_248 : vector<16xf32>
      %gt3A_250 = arith.constant 0.000000e+00 : f32
      %gt3A_251 = vector.broadcast %gt3A_250 : f32 to vector<16xf32>
      %gt3A_252 = arith.cmpf ogt, %get3A_195, %gt3A_251 : vector<16xf32>
      %and3A = arith.andi %gt3A_249, %gt3A_252 : vector<16xi1>
      %gt3A_253 = arith.constant 0.000000e+00 : f32
      %gt3A_254 = vector.broadcast %gt3A_253 : f32 to vector<16xf32>
      %gt3A_255 = arith.cmpf ogt, %get3A_198, %gt3A_254 : vector<16xf32>
      %and3A_256 = arith.andi %and3A, %gt3A_255 : vector<16xi1>
      %gt3A_257 = arith.constant 0.000000e+00 : f32
      %gt3A_258 = vector.broadcast %gt3A_257 : f32 to vector<16xf32>
      %gt3A_259 = arith.cmpf ogt, %get3A_201, %gt3A_258 : vector<16xf32>
      %and3A_260 = arith.andi %and3A_256, %gt3A_259 : vector<16xi1>
      %max3A = arith.constant 1.000000e-24 : f32
      %max3A_261 = vector.broadcast %max3A : f32 to vector<16xf32>
      %max3A_262 = arith.maximumf %add3A_242, %max3A_261 : vector<16xf32>
      %bitcast_convert_type3A = tpu.bitcast %max3A_262 : vector<16xf32> -> vector<16xi32>
      %shift_right_arithmetic3A = arith.constant 1 : i32
      %shift_right_arithmetic3A_263 = vector.broadcast %shift_right_arithmetic3A : i32 to vector<16xi32>
      %shift_right_arithmetic3A_264 = arith.shrsi %bitcast_convert_type3A, %shift_right_arithmetic3A_263 : vector<16xi32>
      %sub3A_265 = arith.constant 1597463007 : i32
      %sub3A_266 = vector.broadcast %sub3A_265 : i32 to vector<16xi32>
      %sub3A_267 = arith.subi %sub3A_266, %shift_right_arithmetic3A_264 : vector<16xi32>
      %bitcast_convert_type3A_268 = tpu.bitcast %sub3A_267 : vector<16xi32> -> vector<16xf32>
      %mul3A_269 = arith.constant 5.000000e-01 : f32
      %mul3A_270 = vector.broadcast %mul3A_269 : f32 to vector<16xf32>
      %mul3A_271 = arith.mulf %mul3A_270, %max3A_262 : vector<16xf32>
      %mul3A_272 = arith.mulf %mul3A_271, %bitcast_convert_type3A_268 : vector<16xf32>
      %mul3A_273 = arith.mulf %mul3A_272, %bitcast_convert_type3A_268 : vector<16xf32>
      %sub3A_274 = arith.constant 1.500000e+00 : f32
      %sub3A_275 = vector.broadcast %sub3A_274 : f32 to vector<16xf32>
      %sub3A_276 = arith.subf %sub3A_275, %mul3A_273 : vector<16xf32>
      %mul3A_277 = arith.mulf %bitcast_convert_type3A_268, %sub3A_276 : vector<16xf32>
      %mul3A_278 = arith.constant 5.000000e-01 : f32
      %mul3A_279 = vector.broadcast %mul3A_278 : f32 to vector<16xf32>
      %mul3A_280 = arith.mulf %mul3A_279, %max3A_262 : vector<16xf32>
      %mul3A_281 = arith.mulf %mul3A_280, %mul3A_277 : vector<16xf32>
      %mul3A_282 = arith.mulf %mul3A_281, %mul3A_277 : vector<16xf32>
      %sub3A_283 = arith.constant 1.500000e+00 : f32
      %sub3A_284 = vector.broadcast %sub3A_283 : f32 to vector<16xf32>
      %sub3A_285 = arith.subf %sub3A_284, %mul3A_282 : vector<16xf32>
      %mul3A_286 = arith.mulf %mul3A_277, %sub3A_285 : vector<16xf32>
      %mul3A_287 = arith.constant 5.000000e-01 : f32
      %mul3A_288 = vector.broadcast %mul3A_287 : f32 to vector<16xf32>
      %mul3A_289 = arith.mulf %mul3A_288, %max3A_262 : vector<16xf32>
      %mul3A_290 = arith.mulf %mul3A_289, %mul3A_286 : vector<16xf32>
      %mul3A_291 = arith.mulf %mul3A_290, %mul3A_286 : vector<16xf32>
      %sub3A_292 = arith.constant 1.500000e+00 : f32
      %sub3A_293 = vector.broadcast %sub3A_292 : f32 to vector<16xf32>
      %sub3A_294 = arith.subf %sub3A_293, %mul3A_291 : vector<16xf32>
      %mul3A_295 = arith.mulf %mul3A_286, %sub3A_294 : vector<16xf32>
      %max3A_296 = arith.constant 1.000000e-24 : f32
      %max3A_297 = vector.broadcast %max3A_296 : f32 to vector<16xf32>
      %max3A_298 = arith.maximumf %add3A_247, %max3A_297 : vector<16xf32>
      %bitcast_convert_type3A_299 = tpu.bitcast %max3A_298 : vector<16xf32> -> vector<16xi32>
      %shift_right_arithmetic3A_300 = arith.constant 1 : i32
      %shift_right_arithmetic3A_301 = vector.broadcast %shift_right_arithmetic3A_300 : i32 to vector<16xi32>
      %shift_right_arithmetic3A_302 = arith.shrsi %bitcast_convert_type3A_299, %shift_right_arithmetic3A_301 : vector<16xi32>
      %sub3A_303 = arith.constant 1597463007 : i32
      %sub3A_304 = vector.broadcast %sub3A_303 : i32 to vector<16xi32>
      %sub3A_305 = arith.subi %sub3A_304, %shift_right_arithmetic3A_302 : vector<16xi32>
      %bitcast_convert_type3A_306 = tpu.bitcast %sub3A_305 : vector<16xi32> -> vector<16xf32>
      %mul3A_307 = arith.constant 5.000000e-01 : f32
      %mul3A_308 = vector.broadcast %mul3A_307 : f32 to vector<16xf32>
      %mul3A_309 = arith.mulf %mul3A_308, %max3A_298 : vector<16xf32>
      %mul3A_310 = arith.mulf %mul3A_309, %bitcast_convert_type3A_306 : vector<16xf32>
      %mul3A_311 = arith.mulf %mul3A_310, %bitcast_convert_type3A_306 : vector<16xf32>
      %sub3A_312 = arith.constant 1.500000e+00 : f32
      %sub3A_313 = vector.broadcast %sub3A_312 : f32 to vector<16xf32>
      %sub3A_314 = arith.subf %sub3A_313, %mul3A_311 : vector<16xf32>
      %mul3A_315 = arith.mulf %bitcast_convert_type3A_306, %sub3A_314 : vector<16xf32>
      %mul3A_316 = arith.constant 5.000000e-01 : f32
      %mul3A_317 = vector.broadcast %mul3A_316 : f32 to vector<16xf32>
      %mul3A_318 = arith.mulf %mul3A_317, %max3A_298 : vector<16xf32>
      %mul3A_319 = arith.mulf %mul3A_318, %mul3A_315 : vector<16xf32>
      %mul3A_320 = arith.mulf %mul3A_319, %mul3A_315 : vector<16xf32>
      %sub3A_321 = arith.constant 1.500000e+00 : f32
      %sub3A_322 = vector.broadcast %sub3A_321 : f32 to vector<16xf32>
      %sub3A_323 = arith.subf %sub3A_322, %mul3A_320 : vector<16xf32>
      %mul3A_324 = arith.mulf %mul3A_315, %sub3A_323 : vector<16xf32>
      %mul3A_325 = arith.constant 5.000000e-01 : f32
      %mul3A_326 = vector.broadcast %mul3A_325 : f32 to vector<16xf32>
      %mul3A_327 = arith.mulf %mul3A_326, %max3A_298 : vector<16xf32>
      %mul3A_328 = arith.mulf %mul3A_327, %mul3A_324 : vector<16xf32>
      %mul3A_329 = arith.mulf %mul3A_328, %mul3A_324 : vector<16xf32>
      %sub3A_330 = arith.constant 1.500000e+00 : f32
      %sub3A_331 = vector.broadcast %sub3A_330 : f32 to vector<16xf32>
      %sub3A_332 = arith.subf %sub3A_331, %mul3A_329 : vector<16xf32>
      %mul3A_333 = arith.mulf %mul3A_324, %sub3A_332 : vector<16xf32>
      %mul3A_334 = arith.mulf %sub3A_234, %mul3A_333 : vector<16xf32>
      %mul3A_335 = arith.mulf %sub3A_228, %mul3A_295 : vector<16xf32>
      %sub3A_336 = arith.subf %mul3A_334, %mul3A_335 : vector<16xf32>
      %abs3A = math.absf %sub3A_336 : vector<16xf32>
      %mul3A_337 = arith.mulf %sub3A_237, %mul3A_333 : vector<16xf32>
      %mul3A_338 = arith.mulf %sub3A_231, %mul3A_295 : vector<16xf32>
      %sub3A_339 = arith.subf %mul3A_337, %mul3A_338 : vector<16xf32>
      %abs3A_340 = math.absf %sub3A_339 : vector<16xf32>
      %add3A_341 = arith.addf %abs3A, %abs3A_340 : vector<16xf32>
      %mul3A_342 = arith.mulf %sub3A_225, %mul3A_333 : vector<16xf32>
      %mul3A_343 = arith.mulf %sub3A_225, %mul3A_295 : vector<16xf32>
      %sub3A_344 = arith.subf %mul3A_342, %mul3A_343 : vector<16xf32>
      %abs3A_345 = math.absf %sub3A_344 : vector<16xf32>
      %add3A_346 = arith.addf %add3A_341, %abs3A_345 : vector<16xf32>
      %jit3A = arith.constant 0.000000e+00 : f32
      %broadcast_in_dim3A_347 = vector.broadcast %jit3A : f32 to vector<16xf32>
      %select_n3A = arith.select %and3A_260, %add3A_346, %broadcast_in_dim3A_347 : vector<16xi1>, vector<16xf32>
      %add3A_348 = arith.addf %scan3A_180, %select_n3A : vector<16xf32>
      %jit3A_349 = arith.constant 1.000000e+00 : f32
      %jit3A_350 = arith.constant 0.000000e+00 : f32
      %broadcast_in_dim3A_351 = vector.broadcast %jit3A_349 : f32 to vector<16xf32>
      %broadcast_in_dim3A_352 = vector.broadcast %jit3A_350 : f32 to vector<16xf32>
      %select_n3A_353 = arith.select %and3A_260, %broadcast_in_dim3A_351, %broadcast_in_dim3A_352 : vector<16xi1>, vector<16xf32>
      %add3A_354 = arith.addf %scan3A_181, %select_n3A_353 : vector<16xf32>
      scf.yield %add3A_348, %add3A_354 : vector<16xf32>, vector<16xf32>
    }
    %scan3A_123 = arith.constant 32 : i32
    %get3A = arith.constant 0 : index
    %get3A_124 = tpu.vector_load %arg27[%get3A] {strides = array<i32>} : memref<32xf32, #tpu.memory_space<vmem>>, vector<16xf32>,
    %get3A_125 = vector.shape_cast %get3A_124 : vector<16xf32> to vector<16xf32>
    %add3A_126 = arith.addf %get3A_125, %scan3A_122#0 : vector<16xf32>
    %swap3A_127 = arith.constant 0 : index
    %swap3A_128 = tpu.vector_load %arg27[%swap3A_127] {strides = array<i32>} : memref<32xf32, #tpu.memory_space<vmem>>, vector<16xf32>,
    %swap3A_129 = vector.shape_cast %swap3A_128 : vector<16xf32> to vector<16xf32>
    %swap3A_130 = vector.shape_cast %add3A_126 : vector<16xf32> to vector<16xf32>
    tpu.vector_store %arg27[%swap3A_127], %swap3A_130 {strides = array<i32>} : memref<32xf32, #tpu.memory_space<vmem>>, vector<16xf32>,
    %get3A_131 = arith.constant 16 : index
    %get3A_132 = tpu.vector_load %arg27[%get3A_131] {strides = array<i32>} : memref<32xf32, #tpu.memory_space<vmem>>, vector<16xf32>,
    %get3A_133 = vector.shape_cast %get3A_132 : vector<16xf32> to vector<16xf32>
    %add3A_134 = arith.addf %get3A_133, %scan3A_122#1 : vector<16xf32>
    %swap3A_135 = arith.constant 16 : index
    %swap3A_136 = tpu.vector_load %arg27[%swap3A_135] {strides = array<i32>} : memref<32xf32, #tpu.memory_space<vmem>>, vector<16xf32>,
    %swap3A_137 = vector.shape_cast %swap3A_136 : vector<16xf32> to vector<16xf32>
    %swap3A_138 = vector.shape_cast %add3A_134 : vector<16xf32> to vector<16xf32>
    tpu.vector_store %arg27[%swap3A_135], %swap3A_138 {strides = array<i32>} : memref<32xf32, #tpu.memory_space<vmem>>, vector<16xf32>,
    %dma_wait3A_139 = arith.constant 0 : i32
    %dma_wait3A_140 = tpu.memref_slice %arg2[%dma_wait3A_139] : memref<2359296xf32, #tpu.memory_space<hbm>> -> memref<2359296xf32, #tpu.memory_space<hbm>>
    tpu.wait_indirect_dma semaphore(%arg33 : memref<!tpu.dma_semaphore, #tpu.memory_space<semaphore_mem>>) src(%dma_wait3A_140 : memref<2359296xf32, #tpu.memory_space<hbm>>) dst(%arg21 : memref<512xf32, #tpu.memory_space<vmem>>)
    %dma_wait3A_141 = arith.constant 0 : i32
    %dma_wait3A_142 = tpu.memref_slice %arg2[%dma_wait3A_141] : memref<2359296xf32, #tpu.memory_space<hbm>> -> memref<2359296xf32, #tpu.memory_space<hbm>>
    tpu.wait_indirect_dma semaphore(%arg33 : memref<!tpu.dma_semaphore, #tpu.memory_space<semaphore_mem>>) src(%dma_wait3A_142 : memref<2359296xf32, #tpu.memory_space<hbm>>) dst(%arg22 : memref<512xf32, #tpu.memory_space<vmem>>)
    %dma_wait3A_143 = arith.constant 0 : i32
    %dma_wait3A_144 = tpu.memref_slice %arg2[%dma_wait3A_143] : memref<2359296xf32, #tpu.memory_space<hbm>> -> memref<2359296xf32, #tpu.memory_space<hbm>>
    tpu.wait_indirect_dma semaphore(%arg33 : memref<!tpu.dma_semaphore, #tpu.memory_space<semaphore_mem>>) src(%dma_wait3A_144 : memref<2359296xf32, #tpu.memory_space<hbm>>) dst(%arg23 : memref<512xf32, #tpu.memory_space<vmem>>)
    %dma_wait3A_145 = arith.constant 0 : i32
    %dma_wait3A_146 = tpu.memref_slice %arg3[%dma_wait3A_145] : memref<2359296xf32, #tpu.memory_space<hbm>> -> memref<2359296xf32, #tpu.memory_space<hbm>>
    tpu.wait_indirect_dma semaphore(%arg33 : memref<!tpu.dma_semaphore, #tpu.memory_space<semaphore_mem>>) src(%dma_wait3A_146 : memref<2359296xf32, #tpu.memory_space<hbm>>) dst(%arg24 : memref<512xf32, #tpu.memory_space<vmem>>)
    %dma_wait3A_147 = arith.constant 0 : i32
    %dma_wait3A_148 = tpu.memref_slice %arg3[%dma_wait3A_147] : memref<2359296xf32, #tpu.memory_space<hbm>> -> memref<2359296xf32, #tpu.memory_space<hbm>>
    tpu.wait_indirect_dma semaphore(%arg33 : memref<!tpu.dma_semaphore, #tpu.memory_space<semaphore_mem>>) src(%dma_wait3A_148 : memref<2359296xf32, #tpu.memory_space<hbm>>) dst(%arg25 : memref<512xf32, #tpu.memory_space<vmem>>)
    %dma_wait3A_149 = arith.constant 0 : i32
    %dma_wait3A_150 = tpu.memref_slice %arg3[%dma_wait3A_149] : memref<2359296xf32, #tpu.memory_space<hbm>> -> memref<2359296xf32, #tpu.memory_space<hbm>>
    tpu.wait_indirect_dma semaphore(%arg33 : memref<!tpu.dma_semaphore, #tpu.memory_space<semaphore_mem>>) src(%dma_wait3A_150 : memref<2359296xf32, #tpu.memory_space<hbm>>) dst(%arg26 : memref<512xf32, #tpu.memory_space<vmem>>)
    %mul3A_151 = arith.constant 2048 : i32
    %mul3A_152 = arith.muli %mul3A_151, %add3A_4 : i32
    %dma_wait3A_153 = tpu.memref_slice %arg5[%mul3A_152] : memref<131072xf32, #tpu.memory_space<hbm>> -> memref<2048xf32, #tpu.memory_space<hbm>>
    %dma_wait3A_154 = tpu.memref_slice %arg5[%mul3A_152] : memref<131072xf32, #tpu.memory_space<hbm>> -> memref<2048xf32, #tpu.memory_space<hbm>>
    tpu.wait_dma2 semaphore(%arg31 : memref<!tpu.dma_semaphore, #tpu.memory_space<semaphore_mem>>) src(%dma_wait3A_154 : memref<2048xf32, #tpu.memory_space<hbm>>) dst(%arg14 : memref<2048xf32, #tpu.memory_space<vmem>>)
    %broadcast_in_dim3A_155 = arith.constant 0.000000e+00 : f32
    %broadcast_in_dim3A_156 = vector.broadcast %broadcast_in_dim3A_155 : f32 to vector<16xf32>
    %scan3A_157 = arith.constant 0 : i32
    %scan3A_158 = arith.constant 32 : i32
    %scan3A_159 = arith.addi %scan3A_157, %scan3A_158 : i32
    %scan3A_160 = arith.constant 1 : i32
    %scan3A_161:2 = scf.for %scan3A_179 = %scan3A_157 to %scan3A_159 step %scan3A_160 iter_args(%scan3A_180 = %broadcast_in_dim3A_156, %scan3A_181 = %broadcast_in_dim3A_156) -> (vector<16xf32>, vector<16xf32>)  : i32 {
      %mul3A_182 = arith.constant 16 : i32
      %mul3A_183 = arith.muli %scan3A_179, %mul3A_182 : i32
      %get3A_184 = arith.index_cast %mul3A_183 : i32 to index
      %get3A_185 = tpu.vector_load %arg21[%get3A_184] {strides = array<i32>} : memref<512xf32, #tpu.memory_space<vmem>>, vector<16xf32>,
      %get3A_186 = vector.shape_cast %get3A_185 : vector<16xf32> to vector<16xf32>
      %get3A_187 = arith.index_cast %mul3A_183 : i32 to index
      %get3A_188 = tpu.vector_load %arg22[%get3A_187] {strides = array<i32>} : memref<512xf32, #tpu.memory_space<vmem>>, vector<16xf32>,
      %get3A_189 = vector.shape_cast %get3A_188 : vector<16xf32> to vector<16xf32>
      %get3A_190 = arith.index_cast %mul3A_183 : i32 to index
      %get3A_191 = tpu.vector_load %arg23[%get3A_190] {strides = array<i32>} : memref<512xf32, #tpu.memory_space<vmem>>, vector<16xf32>,
      %get3A_192 = vector.shape_cast %get3A_191 : vector<16xf32> to vector<16xf32>
      %get3A_193 = arith.index_cast %mul3A_183 : i32 to index
      %get3A_194 = tpu.vector_load %arg24[%get3A_193] {strides = array<i32>} : memref<512xf32, #tpu.memory_space<vmem>>, vector<16xf32>,
      %get3A_195 = vector.shape_cast %get3A_194 : vector<16xf32> to vector<16xf32>
      %get3A_196 = arith.index_cast %mul3A_183 : i32 to index
      %get3A_197 = tpu.vector_load %arg25[%get3A_196] {strides = array<i32>} : memref<512xf32, #tpu.memory_space<vmem>>, vector<16xf32>,
      %get3A_198 = vector.shape_cast %get3A_197 : vector<16xf32> to vector<16xf32>
      %get3A_199 = arith.index_cast %mul3A_183 : i32 to index
      %get3A_200 = tpu.vector_load %arg26[%get3A_199] {strides = array<i32>} : memref<512xf32, #tpu.memory_space<vmem>>, vector<16xf32>,
      %get3A_201 = vector.shape_cast %get3A_200 : vector<16xf32> to vector<16xf32>
      %get3A_202 = arith.index_cast %mul3A_183 : i32 to index
      %get3A_203 = tpu.vector_load %arg14[%get3A_202] {strides = array<i32>} : memref<2048xf32, #tpu.memory_space<vmem>>, vector<16xf32>,
      %get3A_204 = vector.shape_cast %get3A_203 : vector<16xf32> to vector<16xf32>
      %add3A_205 = arith.constant 512 : i32
      %add3A_206 = arith.addi %add3A_205, %mul3A_183 : i32
      %get3A_207 = arith.index_cast %add3A_206 : i32 to index
      %get3A_208 = tpu.vector_load %arg14[%get3A_207] {strides = array<i32>} : memref<2048xf32, #tpu.memory_space<vmem>>, vector<16xf32>,
      %get3A_209 = vector.shape_cast %get3A_208 : vector<16xf32> to vector<16xf32>
      %add3A_210 = arith.constant 1024 : i32
      %add3A_211 = arith.addi %add3A_210, %mul3A_183 : i32
      %get3A_212 = arith.index_cast %add3A_211 : i32 to index
      %get3A_213 = tpu.vector_load %arg14[%get3A_212] {strides = array<i32>} : memref<2048xf32, #tpu.memory_space<vmem>>, vector<16xf32>,
      %get3A_214 = vector.shape_cast %get3A_213 : vector<16xf32> to vector<16xf32>
      %add3A_215 = arith.constant 1536 : i32
      %add3A_216 = arith.addi %add3A_215, %mul3A_183 : i32
      %get3A_217 = arith.index_cast %add3A_216 : i32 to index
      %get3A_218 = tpu.vector_load %arg14[%get3A_217] {strides = array<i32>} : memref<2048xf32, #tpu.memory_space<vmem>>, vector<16xf32>,
      %get3A_219 = vector.shape_cast %get3A_218 : vector<16xf32> to vector<16xf32>
      %sub3A = arith.subf %get3A_198, %get3A_195 : vector<16xf32>
      %sub3A_220 = arith.subf %get3A_201, %get3A_195 : vector<16xf32>
      %sub3A_221 = arith.subf %get3A_189, %get3A_186 : vector<16xf32>
      %sub3A_222 = arith.subf %get3A_192, %get3A_186 : vector<16xf32>
      %mul3A_223 = arith.mulf %get3A_204, %get3A_219 : vector<16xf32>
      %mul3A_224 = arith.mulf %get3A_209, %get3A_214 : vector<16xf32>
      %sub3A_225 = arith.subf %mul3A_223, %mul3A_224 : vector<16xf32>
      %mul3A_226 = arith.mulf %get3A_209, %sub3A_220 : vector<16xf32>
      %mul3A_227 = arith.mulf %sub3A, %get3A_219 : vector<16xf32>
      %sub3A_228 = arith.subf %mul3A_226, %mul3A_227 : vector<16xf32>
      %mul3A_229 = arith.mulf %sub3A, %get3A_214 : vector<16xf32>
      %mul3A_230 = arith.mulf %get3A_204, %sub3A_220 : vector<16xf32>
      %sub3A_231 = arith.subf %mul3A_229, %mul3A_230 : vector<16xf32>
      %mul3A_232 = arith.mulf %get3A_209, %sub3A_222 : vector<16xf32>
      %mul3A_233 = arith.mulf %sub3A_221, %get3A_219 : vector<16xf32>
      %sub3A_234 = arith.subf %mul3A_232, %mul3A_233 : vector<16xf32>
      %mul3A_235 = arith.mulf %sub3A_221, %get3A_214 : vector<16xf32>
      %mul3A_236 = arith.mulf %get3A_204, %sub3A_222 : vector<16xf32>
      %sub3A_237 = arith.subf %mul3A_235, %mul3A_236 : vector<16xf32>
      %mul3A_238 = arith.mulf %sub3A_228, %sub3A_228 : vector<16xf32>
      %mul3A_239 = arith.mulf %sub3A_231, %sub3A_231 : vector<16xf32>
      %add3A_240 = arith.addf %mul3A_238, %mul3A_239 : vector<16xf32>
      %mul3A_241 = arith.mulf %sub3A_225, %sub3A_225 : vector<16xf32>
      %add3A_242 = arith.addf %add3A_240, %mul3A_241 : vector<16xf32>
      %mul3A_243 = arith.mulf %sub3A_234, %sub3A_234 : vector<16xf32>
      %mul3A_244 = arith.mulf %sub3A_237, %sub3A_237 : vector<16xf32>
      %add3A_245 = arith.addf %mul3A_243, %mul3A_244 : vector<16xf32>
      %mul3A_246 = arith.mulf %sub3A_225, %sub3A_225 : vector<16xf32>
      %add3A_247 = arith.addf %add3A_245, %mul3A_246 : vector<16xf32>
      %gt3A = arith.constant 0.0100000007 : f32
      %gt3A_248 = vector.broadcast %gt3A : f32 to vector<16xf32>
      %gt3A_249 = arith.cmpf ogt, %add3A_242, %gt3A_248 : vector<16xf32>
      %gt3A_250 = arith.constant 0.000000e+00 : f32
      %gt3A_251 = vector.broadcast %gt3A_250 : f32 to vector<16xf32>
      %gt3A_252 = arith.cmpf ogt, %get3A_195, %gt3A_251 : vector<16xf32>
      %and3A = arith.andi %gt3A_249, %gt3A_252 : vector<16xi1>
      %gt3A_253 = arith.constant 0.000000e+00 : f32
      %gt3A_254 = vector.broadcast %gt3A_253 : f32 to vector<16xf32>
      %gt3A_255 = arith.cmpf ogt, %get3A_198, %gt3A_254 : vector<16xf32>
      %and3A_256 = arith.andi %and3A, %gt3A_255 : vector<16xi1>
      %gt3A_257 = arith.constant 0.000000e+00 : f32
      %gt3A_258 = vector.broadcast %gt3A_257 : f32 to vector<16xf32>
      %gt3A_259 = arith.cmpf ogt, %get3A_201, %gt3A_258 : vector<16xf32>
      %and3A_260 = arith.andi %and3A_256, %gt3A_259 : vector<16xi1>
      %max3A = arith.constant 1.000000e-24 : f32
      %max3A_261 = vector.broadcast %max3A : f32 to vector<16xf32>
      %max3A_262 = arith.maximumf %add3A_242, %max3A_261 : vector<16xf32>
      %bitcast_convert_type3A = tpu.bitcast %max3A_262 : vector<16xf32> -> vector<16xi32>
      %shift_right_arithmetic3A = arith.constant 1 : i32
      %shift_right_arithmetic3A_263 = vector.broadcast %shift_right_arithmetic3A : i32 to vector<16xi32>
      %shift_right_arithmetic3A_264 = arith.shrsi %bitcast_convert_type3A, %shift_right_arithmetic3A_263 : vector<16xi32>
      %sub3A_265 = arith.constant 1597463007 : i32
      %sub3A_266 = vector.broadcast %sub3A_265 : i32 to vector<16xi32>
      %sub3A_267 = arith.subi %sub3A_266, %shift_right_arithmetic3A_264 : vector<16xi32>
      %bitcast_convert_type3A_268 = tpu.bitcast %sub3A_267 : vector<16xi32> -> vector<16xf32>
      %mul3A_269 = arith.constant 5.000000e-01 : f32
      %mul3A_270 = vector.broadcast %mul3A_269 : f32 to vector<16xf32>
      %mul3A_271 = arith.mulf %mul3A_270, %max3A_262 : vector<16xf32>
      %mul3A_272 = arith.mulf %mul3A_271, %bitcast_convert_type3A_268 : vector<16xf32>
      %mul3A_273 = arith.mulf %mul3A_272, %bitcast_convert_type3A_268 : vector<16xf32>
      %sub3A_274 = arith.constant 1.500000e+00 : f32
      %sub3A_275 = vector.broadcast %sub3A_274 : f32 to vector<16xf32>
      %sub3A_276 = arith.subf %sub3A_275, %mul3A_273 : vector<16xf32>
      %mul3A_277 = arith.mulf %bitcast_convert_type3A_268, %sub3A_276 : vector<16xf32>
      %mul3A_278 = arith.constant 5.000000e-01 : f32
      %mul3A_279 = vector.broadcast %mul3A_278 : f32 to vector<16xf32>
      %mul3A_280 = arith.mulf %mul3A_279, %max3A_262 : vector<16xf32>
      %mul3A_281 = arith.mulf %mul3A_280, %mul3A_277 : vector<16xf32>
      %mul3A_282 = arith.mulf %mul3A_281, %mul3A_277 : vector<16xf32>
      %sub3A_283 = arith.constant 1.500000e+00 : f32
      %sub3A_284 = vector.broadcast %sub3A_283 : f32 to vector<16xf32>
      %sub3A_285 = arith.subf %sub3A_284, %mul3A_282 : vector<16xf32>
      %mul3A_286 = arith.mulf %mul3A_277, %sub3A_285 : vector<16xf32>
      %mul3A_287 = arith.constant 5.000000e-01 : f32
      %mul3A_288 = vector.broadcast %mul3A_287 : f32 to vector<16xf32>
      %mul3A_289 = arith.mulf %mul3A_288, %max3A_262 : vector<16xf32>
      %mul3A_290 = arith.mulf %mul3A_289, %mul3A_286 : vector<16xf32>
      %mul3A_291 = arith.mulf %mul3A_290, %mul3A_286 : vector<16xf32>
      %sub3A_292 = arith.constant 1.500000e+00 : f32
      %sub3A_293 = vector.broadcast %sub3A_292 : f32 to vector<16xf32>
      %sub3A_294 = arith.subf %sub3A_293, %mul3A_291 : vector<16xf32>
      %mul3A_295 = arith.mulf %mul3A_286, %sub3A_294 : vector<16xf32>
      %max3A_296 = arith.constant 1.000000e-24 : f32
      %max3A_297 = vector.broadcast %max3A_296 : f32 to vector<16xf32>
      %max3A_298 = arith.maximumf %add3A_247, %max3A_297 : vector<16xf32>
      %bitcast_convert_type3A_299 = tpu.bitcast %max3A_298 : vector<16xf32> -> vector<16xi32>
      %shift_right_arithmetic3A_300 = arith.constant 1 : i32
      %shift_right_arithmetic3A_301 = vector.broadcast %shift_right_arithmetic3A_300 : i32 to vector<16xi32>
      %shift_right_arithmetic3A_302 = arith.shrsi %bitcast_convert_type3A_299, %shift_right_arithmetic3A_301 : vector<16xi32>
      %sub3A_303 = arith.constant 1597463007 : i32
      %sub3A_304 = vector.broadcast %sub3A_303 : i32 to vector<16xi32>
      %sub3A_305 = arith.subi %sub3A_304, %shift_right_arithmetic3A_302 : vector<16xi32>
      %bitcast_convert_type3A_306 = tpu.bitcast %sub3A_305 : vector<16xi32> -> vector<16xf32>
      %mul3A_307 = arith.constant 5.000000e-01 : f32
      %mul3A_308 = vector.broadcast %mul3A_307 : f32 to vector<16xf32>
      %mul3A_309 = arith.mulf %mul3A_308, %max3A_298 : vector<16xf32>
      %mul3A_310 = arith.mulf %mul3A_309, %bitcast_convert_type3A_306 : vector<16xf32>
      %mul3A_311 = arith.mulf %mul3A_310, %bitcast_convert_type3A_306 : vector<16xf32>
      %sub3A_312 = arith.constant 1.500000e+00 : f32
      %sub3A_313 = vector.broadcast %sub3A_312 : f32 to vector<16xf32>
      %sub3A_314 = arith.subf %sub3A_313, %mul3A_311 : vector<16xf32>
      %mul3A_315 = arith.mulf %bitcast_convert_type3A_306, %sub3A_314 : vector<16xf32>
      %mul3A_316 = arith.constant 5.000000e-01 : f32
      %mul3A_317 = vector.broadcast %mul3A_316 : f32 to vector<16xf32>
      %mul3A_318 = arith.mulf %mul3A_317, %max3A_298 : vector<16xf32>
      %mul3A_319 = arith.mulf %mul3A_318, %mul3A_315 : vector<16xf32>
      %mul3A_320 = arith.mulf %mul3A_319, %mul3A_315 : vector<16xf32>
      %sub3A_321 = arith.constant 1.500000e+00 : f32
      %sub3A_322 = vector.broadcast %sub3A_321 : f32 to vector<16xf32>
      %sub3A_323 = arith.subf %sub3A_322, %mul3A_320 : vector<16xf32>
      %mul3A_324 = arith.mulf %mul3A_315, %sub3A_323 : vector<16xf32>
      %mul3A_325 = arith.constant 5.000000e-01 : f32
      %mul3A_326 = vector.broadcast %mul3A_325 : f32 to vector<16xf32>
      %mul3A_327 = arith.mulf %mul3A_326, %max3A_298 : vector<16xf32>
      %mul3A_328 = arith.mulf %mul3A_327, %mul3A_324 : vector<16xf32>
      %mul3A_329 = arith.mulf %mul3A_328, %mul3A_324 : vector<16xf32>
      %sub3A_330 = arith.constant 1.500000e+00 : f32
      %sub3A_331 = vector.broadcast %sub3A_330 : f32 to vector<16xf32>
      %sub3A_332 = arith.subf %sub3A_331, %mul3A_329 : vector<16xf32>
      %mul3A_333 = arith.mulf %mul3A_324, %sub3A_332 : vector<16xf32>
      %mul3A_334 = arith.mulf %sub3A_234, %mul3A_333 : vector<16xf32>
      %mul3A_335 = arith.mulf %sub3A_228, %mul3A_295 : vector<16xf32>
      %sub3A_336 = arith.subf %mul3A_334, %mul3A_335 : vector<16xf32>
      %abs3A = math.absf %sub3A_336 : vector<16xf32>
      %mul3A_337 = arith.mulf %sub3A_237, %mul3A_333 : vector<16xf32>
      %mul3A_338 = arith.mulf %sub3A_231, %mul3A_295 : vector<16xf32>
      %sub3A_339 = arith.subf %mul3A_337, %mul3A_338 : vector<16xf32>
      %abs3A_340 = math.absf %sub3A_339 : vector<16xf32>
      %add3A_341 = arith.addf %abs3A, %abs3A_340 : vector<16xf32>
      %mul3A_342 = arith.mulf %sub3A_225, %mul3A_333 : vector<16xf32>
      %mul3A_343 = arith.mulf %sub3A_225, %mul3A_295 : vector<16xf32>
      %sub3A_344 = arith.subf %mul3A_342, %mul3A_343 : vector<16xf32>
      %abs3A_345 = math.absf %sub3A_344 : vector<16xf32>
      %add3A_346 = arith.addf %add3A_341, %abs3A_345 : vector<16xf32>
      %jit3A = arith.constant 0.000000e+00 : f32
      %broadcast_in_dim3A_347 = vector.broadcast %jit3A : f32 to vector<16xf32>
      %select_n3A = arith.select %and3A_260, %add3A_346, %broadcast_in_dim3A_347 : vector<16xi1>, vector<16xf32>
      %add3A_348 = arith.addf %scan3A_180, %select_n3A : vector<16xf32>
      %jit3A_349 = arith.constant 1.000000e+00 : f32
      %jit3A_350 = arith.constant 0.000000e+00 : f32
      %broadcast_in_dim3A_351 = vector.broadcast %jit3A_349 : f32 to vector<16xf32>
      %broadcast_in_dim3A_352 = vector.broadcast %jit3A_350 : f32 to vector<16xf32>
      %select_n3A_353 = arith.select %and3A_260, %broadcast_in_dim3A_351, %broadcast_in_dim3A_352 : vector<16xi1>, vector<16xf32>
      %add3A_354 = arith.addf %scan3A_181, %select_n3A_353 : vector<16xf32>
      scf.yield %add3A_348, %add3A_354 : vector<16xf32>, vector<16xf32>
    }
    %scan3A_162 = arith.constant 32 : i32
    %get3A_163 = arith.constant 0 : index
    %get3A_164 = tpu.vector_load %arg27[%get3A_163] {strides = array<i32>} : memref<32xf32, #tpu.memory_space<vmem>>, vector<16xf32>,
    %get3A_165 = vector.shape_cast %get3A_164 : vector<16xf32> to vector<16xf32>
    %add3A_166 = arith.addf %get3A_165, %scan3A_161#0 : vector<16xf32>
    %swap3A_167 = arith.constant 0 : index
    %swap3A_168 = tpu.vector_load %arg27[%swap3A_167] {strides = array<i32>} : memref<32xf32, #tpu.memory_space<vmem>>, vector<16xf32>,
    %swap3A_169 = vector.shape_cast %swap3A_168 : vector<16xf32> to vector<16xf32>
    %swap3A_170 = vector.shape_cast %add3A_166 : vector<16xf32> to vector<16xf32>
    tpu.vector_store %arg27[%swap3A_167], %swap3A_170 {strides = array<i32>} : memref<32xf32, #tpu.memory_space<vmem>>, vector<16xf32>,
    %get3A_171 = arith.constant 16 : index
    %get3A_172 = tpu.vector_load %arg27[%get3A_171] {strides = array<i32>} : memref<32xf32, #tpu.memory_space<vmem>>, vector<16xf32>,
    %get3A_173 = vector.shape_cast %get3A_172 : vector<16xf32> to vector<16xf32>
    %add3A_174 = arith.addf %get3A_173, %scan3A_161#1 : vector<16xf32>
    %swap3A_175 = arith.constant 16 : index
    %swap3A_176 = tpu.vector_load %arg27[%swap3A_175] {strides = array<i32>} : memref<32xf32, #tpu.memory_space<vmem>>, vector<16xf32>,
    %swap3A_177 = vector.shape_cast %swap3A_176 : vector<16xf32> to vector<16xf32>
    %swap3A_178 = vector.shape_cast %add3A_174 : vector<16xf32> to vector<16xf32>
    tpu.vector_store %arg27[%swap3A_175], %swap3A_178 {strides = array<i32>} : memref<32xf32, #tpu.memory_space<vmem>>, vector<16xf32>,
    "tpu.region"() ({
      %run_scoped3A = tpu.sem_alloc : memref<!tpu.dma_semaphore, #tpu.memory_space<semaphore_mem>>
      %dma_start3A_179 = arith.constant 0 : i32
      %dma_start3A_180 = tpu.memref_slice %arg6[%add3A, %dma_start3A_179] : memref<32x32xf32, #tpu.memory_space<hbm>> -> memref<1x32xf32, #tpu.memory_space<hbm>>
      %dma_start3A_181 = tpu.memref_squeeze %dma_start3A_180 : memref<1x32xf32, #tpu.memory_space<hbm>> -> memref<32xf32, #tpu.memory_space<hbm>>
      %dma_start3A_182 = arith.constant 0 : i32
      %dma_start3A_183 = tpu.memref_slice %arg6[%add3A, %dma_start3A_182] : memref<32x32xf32, #tpu.memory_space<hbm>> -> memref<1x32xf32, #tpu.memory_space<hbm>>
      %dma_start3A_184 = tpu.memref_squeeze %dma_start3A_183 : memref<1x32xf32, #tpu.memory_space<hbm>> -> memref<32xf32, #tpu.memory_space<hbm>>
      tpu.enqueue_dma source(%arg27 : memref<32xf32, #tpu.memory_space<vmem>>) target(%dma_start3A_184 : memref<32xf32, #tpu.memory_space<hbm>>) target_semaphore(%run_scoped3A : memref<!tpu.dma_semaphore, #tpu.memory_space<semaphore_mem>>)
      %dma_wait3A_185 = arith.constant 0 : i32
      %dma_wait3A_186 = tpu.memref_slice %arg6[%add3A, %dma_wait3A_185] : memref<32x32xf32, #tpu.memory_space<hbm>> -> memref<1x32xf32, #tpu.memory_space<hbm>>
      %dma_wait3A_187 = tpu.memref_squeeze %dma_wait3A_186 : memref<1x32xf32, #tpu.memory_space<hbm>> -> memref<32xf32, #tpu.memory_space<hbm>>
      %dma_wait3A_188 = arith.constant 0 : i32
      %dma_wait3A_189 = tpu.memref_slice %arg6[%add3A, %dma_wait3A_188] : memref<32x32xf32, #tpu.memory_space<hbm>> -> memref<1x32xf32, #tpu.memory_space<hbm>>
      %dma_wait3A_190 = tpu.memref_squeeze %dma_wait3A_189 : memref<1x32xf32, #tpu.memory_space<hbm>> -> memref<32xf32, #tpu.memory_space<hbm>>
      tpu.wait_dma2 semaphore(%run_scoped3A : memref<!tpu.dma_semaphore, #tpu.memory_space<semaphore_mem>>) src(%arg27 : memref<32xf32, #tpu.memory_space<vmem>>) dst(%dma_wait3A_190 : memref<32xf32, #tpu.memory_space<hbm>>)
      tpu.yield
    }) : () -> ()
    return
  }
}

module attributes {stable_mosaic.version = 14 : i64} {
  func.func @_reduce_body(%arg0: memref<32x32xf32, #tpu.memory_space<vmem>>, %arg1: memref<1x1xf32, #tpu.memory_space<vmem>>) attributes {dimension_semantics = [], scalar_prefetch = 0 : i64, scratch_operands = 0 : i64, tpu.core_type = #tpu.core_type<tc>} {
    %get3A = arith.constant 0 : index
    %get3A_0 = arith.constant 0 : index
    %get3A_1 = vector.load %arg0[%get3A, %get3A_0] : memref<32x32xf32, #tpu.memory_space<vmem>>, vector<32x16xf32>
    %reduce_sum3A = vector.shape_cast %get3A_1 : vector<32x16xf32> to vector<1x32x16xf32>
    %reduce_sum3A_2 = arith.constant dense<0.000000e+00> : vector<1xf32>
    %reduce_sum3A_3 = vector.multi_reduction <add>, %reduce_sum3A, %reduce_sum3A_2 [1, 2] : vector<1x32x16xf32> to vector<1xf32>
    %reduce_sum3A_4 = vector.shape_cast %reduce_sum3A_3 : vector<1xf32> to vector<1x1x1xf32>
    %reduce_sum3A_5 = vector.extract %reduce_sum3A_4[0, 0, 0] : f32 from vector<1x1x1xf32>
    %get3A_6 = arith.constant 0 : index
    %get3A_7 = arith.constant 16 : index
    %get3A_8 = vector.load %arg0[%get3A_6, %get3A_7] : memref<32x32xf32, #tpu.memory_space<vmem>>, vector<32x16xf32>
    %reduce_sum3A_9 = vector.shape_cast %get3A_8 : vector<32x16xf32> to vector<1x32x16xf32>
    %reduce_sum3A_10 = arith.constant dense<0.000000e+00> : vector<1xf32>
    %reduce_sum3A_11 = vector.multi_reduction <add>, %reduce_sum3A_9, %reduce_sum3A_10 [1, 2] : vector<1x32x16xf32> to vector<1xf32>
    %reduce_sum3A_12 = vector.shape_cast %reduce_sum3A_11 : vector<1xf32> to vector<1x1x1xf32>
    %reduce_sum3A_13 = vector.extract %reduce_sum3A_12[0, 0, 0] : f32 from vector<1x1x1xf32>
    %mul3A = arith.constant 3.000000e+00 : f32
    %mul3A_14 = arith.mulf %reduce_sum3A_13, %mul3A : f32
    %max3A = arith.constant 1.000000e+00 : f32
    %max3A_15 = arith.maximumf %mul3A_14, %max3A : f32
    %div3A = arith.divf %reduce_sum3A_5, %max3A_15 : f32
    %reshape3A = vector.broadcast %div3A : f32 to vector<1x1xf32>
    %swap3A = arith.constant 0 : index
    %swap3A_16 = arith.constant 0 : index
    %swap3A_17 = vector.load %arg1[%swap3A, %swap3A_16] : memref<1x1xf32, #tpu.memory_space<vmem>>, vector<1x1xf32>
    tpu.vector_store %arg1[%swap3A, %swap3A_16], %reshape3A {strides = array<i32>} : memref<1x1xf32, #tpu.memory_space<vmem>>, vector<1x1xf32>,
    return
  }
}

</mosaic_0001>

<sc_bundles>
// kernel: kernel.4.cloned.1.call-start
scs
__scs_entry_jumppad:
0x0: {  	(pc) =	sbr.rel $0x88, $3  }
0x1: {  	(tag) =	ssettag $0x0;
	lr =	simm.s32 $0x1  }
0x2: {  	[smem:$0x3F9F] =	sst lr;
	_ =	strace $0xD0000000  }
0x3: {  	_ = 	snop  }
0x4: {  	_ = 	snop  }
0x5: {  	_ = 	snop  }
0x6: {  	_ = 	snop  }
0x7: {  	_ = 	snop  }
__scs_overlays_trampoline_lowered:
0x8: {  	[smem:$0x3FAE] =	sst s0  }
0x9: {  	[smem:$0x3FAF] =	sst s1  }
0xa: {  	[smem:$0x3FB0] =	sst s2  }
0xb: {  	[smem:$0x3FB1] =	sst s3  }
0xc: {  	[smem:$0x3FB2] =	sst s4  }
0xd: {  	[smem:$0x3FB3] =	sst s5  }
0xe: {  	[smem:$0x3FB4] =	sst s6  }
0xf: {  	[smem:$0x3FB5] =	sst s7  }
0x10: {  	[smem:$0x3FB6] =	sst s8  }
0x11: {  	[smem:$0x3FB7] =	sst s9;
	s0 =	simm.s32 @!p0 $0x0  }
0x12: {  	s1 =	sld [smem:$0x3F9D];
	s0 =	simm.s32 @p0 $0x1  }
0x13: {  	[smem:$0x3FB8] =	sst s0;
	s0 =	simm.s32 @!p1 $0x0  }
0x14: {  	s2 =	sld [smem:$0x3F9C];
	s0 =	simm.s32 @p1 $0x1  }
0x15: {  	[smem:$0x3FB9] =	sst s0;
	s0 =	simm.s32 @!p2 $0x0  }
0x16: {  	s3 =	sld [smem:$0x3FDB];
	s0 =	simm.s32 @p2 $0x1  }
0x17: {  	s4 =	simm.s32 $0x1BF5;
	[smem:$0x3FBB] =	sst s0  }
0x18: {  	s0 =	sld [smem:$0x3F9E];
	_ =	swait.ge [sflag:s4], $0x0  }
0x19: {  	s7 =	sld [smem:$0x3F9F]  }
0x1a: {  	s8 =	sadd.s32 $0xFFFFE003, lr  }
0x1b: {  	s9 =	sadd.s32 $0xFFFFFEF7, lr;
	s5 =	simm.s32 $0xFFFFFFFF;
	p2 =	slt.u32 s8, $0xFFFFF086  }
0x1c: {  	p1 =	slt.u32 s9, $0xF7A;
	s5 =	simm.s32 @!p2 $0x0  }
0x1d: {  	s5 =	simm.s32 @p1 $0x1;
	p0 =	seq.s32 s7, s2  }
0x1e: {  	s7 =	smul.u32 @!p0 $0xF7A, s2;
	p2 =	seq.s32 @!p0 s5, $0x0  }
0x1f: {  	s9 =	smul.u32 $0xF7A, s1;
	s8 =	simm.s32 @!p0 $0x1BF5;
	p2 =	por !p2, p0  }
0x20: {  	[sflag:s8] =	ssyncset.s32 @!p0 $0xFFFFF086;
	s6 =	sadd.s32 @!p0 s3, s7;
	s7 =	simm.s32 @!p0 $0x108  }
0x21: {  	s3 =	sadd.s32 s3, s9;
	s6 =	sadd.s32 @!p0 $0x88, s6;
	s7 =	simm.s32 @p2 $0x1082  }
0x22: {  	[simem:s7], [sflag:s8] =	dma.local @!p0 [hbm:s6], $0xF7A  }
0x23: {  	s9 =	sor.u32 $0xD0000000, s2;
	s6 =	simm.s32 $0x108;
	_ =	swait.ge @!p0 [sflag:s8], $0x0  }
0x24: {  	s3 =	sadd.s32 $0x88, s3;
	s6 =	simm.s32 @!p1 $0x1082;
	[sflag:s4] =	ssyncset.s32 $0xFFFFF086  }
0x25: {  	[simem:s6], [sflag:s4] =	dma.local [hbm:s3], $0xF7A  }
0x26: {  	[smem:$0x3F9F] =	sst s1;
	(tag) =	ssettag s2;
	_ =	strace s9  }
0x27: {  	s1 =	sld [smem:$0x3FAF]  }
0x28: {  	s2 =	sld [smem:$0x3FB0]  }
0x29: {  	s4 =	sld [smem:$0x3FB2]  }
0x2a: {  	p0 =	seq.s32 s5, $0x0;
	s5 =	sld [smem:$0x3FB3]  }
0x2b: {  	s6 =	sld [smem:$0x3FB4]  }
0x2c: {  	s7 =	sld [smem:$0x3FB5]  }
0x2d: {  	s3 =	simm.s32 $0x108;
	s8 =	sld [smem:$0x3FB6]  }
0x2e: {  	s3 =	simm.s32 @!p0 $0x1082;
	s9 =	sld [smem:$0x3FB7]  }
0x2f: {  	lr =	sadd.s32 s0, s3;
	s0 =	sld [smem:$0x3FAE]  }
0x30: {  	s3 =	sld [smem:$0x3FB1]  }
0x31: {  	[smem:$0x3FBA] =	sst s10  }
0x32: {  	s10 =	sld [smem:$0x3FB8];
	_ =	sdelay $0x3  }
0x33: {  	p0 =	seq.s32 s10, $0x1;
	s10 =	sld [smem:$0x3FBA];
	_ =	sdelay $0x3  }
0x34: {  	[smem:$0x3FBA] =	sst s10  }
0x35: {  	s10 =	sld [smem:$0x3FB9];
	_ =	sdelay $0x3  }
0x36: {  	p1 =	seq.s32 s10, $0x1;
	s10 =	sld [smem:$0x3FBA];
	_ =	sdelay $0x3  }
0x37: {  	[smem:$0x3FBA] =	sst s10  }
0x38: {  	s10 =	sld [smem:$0x3FBB]  }
0x39: {  	_ = 	snop;
	(pc) =	sbr.ind lr, $3  }
0x3a: {  	_ = 	snop  }
0x3b: {  	_ = 	snop  }
0x3c: {  	p2 =	seq.s32 s10, $0x1;
	s10 =	sld [smem:$0x3FBA]  }
0x3d: {  	_ =	shalt  }
0x3e: {  	_ =	shalt  }
0x3f: {  	_ =	shalt  }
0x40: {  	_ =	shalt  }
0x41: {  	_ =	shalt  }
0x42: {  	_ =	shalt  }
0x43: {  	_ =	shalt  }
0x44: {  	_ =	shalt  }
0x45: {  	_ =	shalt  }
0x46: {  	_ =	shalt  }
0x47: {  	_ =	shalt  }
0x48: {  	_ =	shalt  }
0x49: {  	_ =	shalt  }
0x4a: {  	_ =	shalt  }
0x4b: {  	_ =	shalt  }
0x4c: {  	_ =	shalt  }
0x4d: {  	_ =	shalt  }
0x4e: {  	_ =	shalt  }
0x4f: {  	_ =	shalt  }
0x50: {  	_ =	shalt  }
0x51: {  	_ =	shalt  }
0x52: {  	_ =	shalt  }
0x53: {  	_ =	shalt  }
0x54: {  	_ =	shalt  }
0x55: {  	_ =	shalt  }
0x56: {  	_ =	shalt  }
0x57: {  	_ =	shalt  }
0x58: {  	_ =	shalt  }
0x59: {  	_ =	shalt  }
0x5a: {  	_ =	shalt  }
0x5b: {  	_ =	shalt  }
0x5c: {  	_ =	shalt  }
0x5d: {  	_ =	shalt  }
0x5e: {  	_ =	shalt  }
0x5f: {  	_ =	shalt  }
0x60: {  	_ =	shalt  }
0x61: {  	_ =	shalt  }
0x62: {  	_ =	shalt  }
0x63: {  	_ =	shalt  }
0x64: {  	_ =	shalt  }
0x65: {  	_ =	shalt  }
0x66: {  	_ =	shalt  }
0x67: {  	_ =	shalt  }
0x68: {  	_ =	shalt  }
0x69: {  	_ =	shalt  }
0x6a: {  	_ =	shalt  }
0x6b: {  	_ =	shalt  }
0x6c: {  	_ =	shalt  }
0x6d: {  	_ =	shalt  }
0x6e: {  	_ =	shalt  }
0x6f: {  	_ =	shalt  }
0x70: {  	_ =	shalt  }
0x71: {  	_ =	shalt  }
0x72: {  	_ =	shalt  }
0x73: {  	_ =	shalt  }
0x74: {  	_ =	shalt  }
0x75: {  	_ =	shalt  }
0x76: {  	_ =	shalt  }
0x77: {  	_ =	shalt  }
0x78: {  	_ =	shalt  }
0x79: {  	_ =	shalt  }
0x7a: {  	_ =	shalt  }
0x7b: {  	_ =	shalt  }
0x7c: {  	_ =	shalt  }
0x7d: {  	_ =	shalt  }
0x7e: {  	_ =	shalt  }
0x7f: {  	_ =	shalt  }
0x80: {  	_ =	shalt  }
0x81: {  	_ =	shalt  }
0x82: {  	_ =	shalt  }
0x83: {  	_ =	shalt  }
0x84: {  	_ =	shalt  }
0x85: {  	_ =	shalt  }
0x86: {  	_ =	shalt  }
0x87: {  	_ =	shalt  }
.Lfunc_end0:
.L_simem_size_0:
called_computation_lowered:
.L_overlay_start_0:
0x88: {  	s2 =	sld [smem:$0x3FD9]  }
0x89: {  	s3 =	sld [smem:$0x3FFE];
	_ =	sdelay $0x1  }
0x8a: {  	s1 =	srdreg.scid  }
0x8b: {  	s0 =	sand.u32 $0x1, s1  }
0x8c: {  	s16 =	sshll.u32 s0, $0xA;
	s2 =	sadd.s32 s3, s2  }
0x8d: {  	s2 =	sadd.s32 s2, s16  }
0x8e: {  	[smem:$0x3FC6] =	sst s2  }
0x8f: {  	_ = 	snop  }
0x90: {  	(tm) =	ssettm $0x1  }
0x91: {  	s17 =	sld [smem:$0x3FFB];
	_ =	sdelay $0x3  }
0x92: {  	_ =	strace s17  }
0x93: {  	s2 =	sld [smem:$0x3FFC];
	_ =	sdelay $0x3  }
0x94: {  	_ =	strace s2  }
0x95: {  	s2 =	sld [smem:$0x3FFD];
	_ =	sdelay $0x3  }
0x96: {  	_ =	strace s2  }
0x97: {  	_ =	strace $0x8FFFFFFF  }
0x98: {  	s18 =	sld [smem:$0x3FDB];
	_ =	sdelay $0x1  }
0x99: {  	s19 =	simm.s32 $_scs_section_size  }
0x9a: {  	s4 =	simm.s32 $_size__tile_overlayer_lowered;
	s5 =	simm.s32 $_tile_overlayer_lowered  }
0x9b: {  	s22 =	simm.s32 $0x1BFF;
	s21 =	sshll.u32 s5, $0x1;
	s2 =	sadd.s32 s19, s18  }
0x9c: {  	s6 =	simm.s32 $0x0;
	s20 =	sshll.u32 s4, $0x1;
	s4 =	sadd.s32 s21, s2  }
0x9d: {  	[timem:s6], [sflag:s22] =	dma.local [hbm:s4], s20  }
0x9e: {  	_ =	swait.ge [sflag:s22], s20  }
0x9f: {  	s3 =	ssub.s32 $0x0, s20;
	[sflag:s22] =	ssyncset.done $0x0  }
0xa0: {  	[sflag:s22] =	ssyncadd.s32 s3;
	_ =	sdelay $0x1  }
0xa1: {  	s23 =	simm.s32 $0x1B8B  }
0xa2: {  	_ =	swait.ge [sflag:s23], $0x1  }
0xa3: {  	[sflag:s23] =	ssyncset.done $0x0  }
0xa4: {  	s25 =	simm.s32 $0x1B8E;
	s24 =	sld [smem:$0x3FFE];
	[sflag:s23] =	ssyncadd.s32 $0xFFFFFFFF  }
0xa5: {  	s26 =	simm.s32 $execute0_lowered;
	[smem:$0x3FD2] =	sst s25  }
0xa6: {  	s4 =	sshll.u32 s26, $0x1;
	_ =	strace $0x80000046;
	[dreg:$0x1] =	wrdreg $0xFFFFFFFF  }
0xa7: {  	s28 =	simm.s32 $_size_execute0_lowered;
	s2 =	sadd.s32 s2, s4;
	[dreg:$0x0] =	wrdreg $0x0  }
0xa8: {  	s4 =	sshll.u32 s28, $0x1;
	[dreg:$0x2] =	wrdreg s2  }
0xa9: {  	[dreg:$0x3] =	wrdreg s4  }
0xaa: {  	[dreg:$0x4] =	wrdreg $0xC0  }
0xab: {  	_ =	task [dreg:s6], $0x5FFFF  }
0xac: {  	[dreg:$0x1] =	wrdreg $0xFFFFFFFF  }
0xad: {  	[dreg:$0x0] =	wrdreg $0x60  }
0xae: {  	[dreg:$0x2] =	wrdreg s24  }
0xaf: {  	[dreg:$0x3] =	wrdreg $0x9  }
0xb0: {  	_ =	task.clear_ibuf [dreg:s6], $0x4FFFF;
	_ =	strace $0x90000046  }
0xb1: {  	s29 =	simm.s32 $0x9;
	_ =	strace $0x80000048  }
0xb2: {  	_ =	swait.ge [sflag:s29], $0x1  }
0xb3: {  	[sflag:s29] =	ssyncadd.s32 $0xFFFFFFFF  }
0xb4: {  	_ =	strace $0x90000048  }
0xb5: {  	_ =	sfence  }
0xb6: {  	s30 =	sld [smem:$0x0];
	_ =	sdelay $0x2  }
0xb7: {  	s31 =	sshll.u32 s1, $0xD;
	s1 =	sshrl.u32 s1, $0x2  }
0xb8: {  	s3 =	sand.u32 $0x4000, s31;
	s1 =	sadd.s32 s1, s30  }
0xb9: {  	s0 =	sor.u32 s3, s0;
	s1 =	sshll.u32 s1, $0x11  }
0xba: {  	s0 =	sor.u32 s1, s0  }
0xbb: {  	s0 =	sadd.s32 $0x8F2B, s0  }
0xbc: {  	[sflag:s0] =	ssyncadd.remote.s32 $0x1  }
0xbd: {  	_ =	sfence.sel $0xFFFF  }
0xbe: {  	[dreg:$0x0] =	wrdreg $0xFFFFFFFF;
	(pc) =	sbr.abs _section_cstart, $3  }
0xbf: {  	[dreg:$0x1] =	wrdreg $0xFFFFFFFF  }
0xc0: {  	_ =	task.clear_ibuf [dreg:s6], $0x2FFFF;
	_ =	strace $0x9FFFFFFF  }
0xc1: {  	(tm) =	ssettm $0x7FFFFFFF  }
tec
execute0_lowered:
.L_overlay_start_1:
0x0: {  	(tag) =	ssettag $0x1  }
0x1: {  	s0 =	rddreg [dreg:$0x0];
	s1 =	simm.s32 $0x0  }
0x2: {  	s2 =	srdreg.scid;
	s8 =	stileid.u32;
	s15 =	simm.s32 $0x200  }
0x3: {  	s16 =	simm.s32 $0x400;
	s17 =	simm.s32 $0x600;
	s18 =	simm.s32 $0x800  }
0x4: {  	s19 =	simm.s32 $0xA00;
	s30 =	simm.s32 $0x5;
	s31 =	simm.s32 $0x3  }
0x5: {  	[smem:$0x7FF] =	sst s1;
	s2 =	sand.u32 $0x1, s2;
	s3 =	sadd.s32 $0xC00, s0  }
0x6: {  	s4 =	sadd.s32 $0x48C00, s0;
	s6 =	sadd.s32 $0x94C00, s0;
	s9 =	sadd.s32 $0x90C00, s0  }
0x7: {  	s20 =	sshll.u32 s8, $0x4;
	_ =	strace $0x80000047;
	s5 =	sshll.u32 s2, $0x4  }
0x8: {  	s2 =	ssub.s32 $0x2, s2;
	s7 =	sor.u32 s8, s5;
	s5 =	sand.u32 $0x70, s20  }
0x9: {  	s11 =	sshrl.u32 s2, $0x1;
	s21 =	smul.u32 $0xC00, s7;
	s10 =	sshllo.u32 s7, $0x1  }
0xa: {  	s0 =	sadd.s32 s5, s0;
	s2 =	ssub.s32 s2, s11;
	s24 =	sshll.u32 s7, $0x9  }
0xb: {  	s25 =	sshll.u32 s7, $0x4;
	s12 =	smul.u32 $0x600, s10;
	s26 =	sadd.s32 s9, s24  }
0xc: {  	s29 =	sshll.u32 s10, $0x8;
	s14 =	smax.u32 s2, $0x1;
	s8 =	sshrl.u32 s21, $0x3  }
0xd: {  	s2 =	simm.s32 $0x4;
	s24 =	simm.s32 $0x0;
	s5 =	sadd.s32 s6, s8  }
0xe: {  	[dreg:$0x4] =	wrdreg s26;
	s21 =	simm.s32 $0x1;
	s8 =	sadd.s32 $0x40, s5  }
0xf: {  	s23 =	sshrl.u32 s12, $0x3;
	s22 =	sadd.s32 $0x80, s5;
	[dreg:$0x2] =	wrdreg s8  }
0x10: {  	s12 =	sadd.s32 s9, s29;
	[dreg:$0x3] =	wrdreg s22;
	s8 =	sadd.s32 s6, s23  }
0x11: {  	s6 =	sand.u32 $0x180, s25;
	s22 =	simm.s32 $0x2;
	s23 =	simm.s32 $0x7  }
0x12: {  	s28 =	sadd.s32 $0x40, s8;
	s11 =	sadd.s32 $0x80, s8;
	s0 =	sadd.s32 s6, s0  }
0x13: {  	v0 =	vimm.f32 $0.0e+00;
	[dreg:$0x5] =	wrdreg s28;
	s13 =	sadd.s32 $0x97C00, s0;
	s0 =	simm.s32 $0x6  }
.LBB2_1:
0x14: {  	[tilespmem:$0x3400] =	vst v0  }
0x15: {  	[tilespmem:$0x3410] =	vst v0  }
0x16: {  	[tilespmem:s1], [sflag:$0x1] =	stream.linear.gather [hbm4b:s5+s1], $0x200, $0x38;
	[tilespmem:$0x3480] =	vst v63  }
0x17: {  	s6 =	rddreg [dreg:$0x2]  }
0x18: {  	[tilespmem:s15], [sflag:$0x1] =	stream.linear.gather [hbm4b:s6+s1], $0x200, $0x38;
	[tilespmem:$0x3480] =	vst v63  }
0x19: {  	s20 =	rddreg [dreg:$0x3]  }
0x1a: {  	[tilespmem:s16], [sflag:$0x1] =	stream.linear.gather [hbm4b:s20+s1], $0x200, $0x38;
	[tilespmem:$0x3480] =	vst v63  }
0x1b: {  	s7 =	rddreg [dreg:$0x4];
	s6 =	simm.s32 $0xC00  }
0x1c: {  	[tilespmem:s6], [sflag:$0x3] =	stream.linear.gather [hbm4b:s7+s1], $0x800, $0x38;
	[tilespmem:$0x3480] =	vst v63  }
0x1d: {  	_ = 	snop  }
0x1e: {  	[tilespmem:s17], [sflag:$0x2] =	stream.linear.gather [hbm4b:s8+s1], $0x200, $0x38;
	[tilespmem:$0x3480] =	vst v63  }
0x1f: {  	s25 =	rddreg [dreg:$0x5]  }
0x20: {  	[tilespmem:s18], [sflag:$0x2] =	stream.linear.gather [hbm4b:s25+s1], $0x200, $0x38;
	[tilespmem:$0x3480] =	vst v63  }
0x21: {  	_ = 	snop  }
0x22: {  	[tilespmem:s19], [sflag:$0x2] =	stream.linear.gather [hbm4b:s11+s1], $0x200, $0x38;
	[tilespmem:$0x3480] =	vst v63  }
0x23: {  	s26 =	simm.s32 $0x1400  }
0x24: {  	[tilespmem:s26], [sflag:$0x4] =	stream.linear.gather [hbm4b:s12+s1], $0x800, $0x38;
	[tilespmem:$0x3480] =	vst v63  }
0x25: {  	_ =	swait.ge [sflag:s21], $0x200  }
0x26: {  	[sflag:s21] =	ssyncset.done $0x0  }
0x27: {  	[sflag:s21] =	ssyncadd.s32 $0xFFFFFE00  }
0x28: {  	_ =	swait.ge [sflag:s21], $0x200  }
0x29: {  	[sflag:s21] =	ssyncset.done $0x0  }
0x2a: {  	[sflag:s21] =	ssyncadd.s32 $0xFFFFFE00  }
0x2b: {  	_ =	swait.ge [sflag:s21], $0x200  }
0x2c: {  	[sflag:s21] =	ssyncset.done $0x0  }
0x2d: {  	s7 =	simm.s32 $0x1C00;
	[sflag:s21] =	ssyncadd.s32 $0xFFFFFE00  }
0x2e: {  	[tilespmem:s7], [sflag:$0x5] =	stream.indirect.gather [hbm4b:s3+s15], $0x1, s1, s15, $0xb8;
	[tilespmem:$0x3480] =	vst v63  }
0x2f: {  	s9 =	simm.s32 $0x1E00  }
0x30: {  	[tilespmem:s9], [sflag:$0x5] =	stream.indirect.gather [hbm4b:s3+s15], $0x1, s15, s15, $0xb8;
	[tilespmem:$0x3480] =	vst v63  }
0x31: {  	s10 =	simm.s32 $0x2000  }
0x32: {  	[tilespmem:s10], [sflag:$0x5] =	stream.indirect.gather [hbm4b:s3+s15], $0x1, s16, s15, $0xb8;
	[tilespmem:$0x3480] =	vst v63  }
0x33: {  	s20 =	simm.s32 $0x2200  }
0x34: {  	[tilespmem:s20], [sflag:$0x5] =	stream.indirect.gather [hbm4b:s4+s15], $0x1, s1, s15, $0xb8;
	[tilespmem:$0x3480] =	vst v63  }
0x35: {  	s25 =	simm.s32 $0x2400  }
0x36: {  	[tilespmem:s25], [sflag:$0x5] =	stream.indirect.gather [hbm4b:s4+s15], $0x1, s15, s15, $0xb8;
	[tilespmem:$0x3480] =	vst v63  }
0x37: {  	s26 =	simm.s32 $0x2600  }
0x38: {  	[tilespmem:s26], [sflag:$0x5] =	stream.indirect.gather [hbm4b:s4+s15], $0x1, s16, s15, $0xb8;
	[tilespmem:$0x3480] =	vst v63  }
0x39: {  	_ =	swait.ge [sflag:s22], $0x200  }
0x3a: {  	[sflag:s22] =	ssyncset.done $0x0  }
0x3b: {  	[sflag:s22] =	ssyncadd.s32 $0xFFFFFE00  }
0x3c: {  	_ =	swait.ge [sflag:s22], $0x200  }
0x3d: {  	[sflag:s22] =	ssyncset.done $0x0  }
0x3e: {  	[sflag:s22] =	ssyncadd.s32 $0xFFFFFE00  }
0x3f: {  	_ =	swait.ge [sflag:s22], $0x200  }
0x40: {  	[sflag:s22] =	ssyncset.done $0x0  }
0x41: {  	s28 =	simm.s32 $0x2800;
	[sflag:s22] =	ssyncadd.s32 $0xFFFFFE00  }
0x42: {  	[tilespmem:s28], [sflag:$0x6] =	stream.indirect.gather [hbm4b:s3+s15], $0x1, s17, s15, $0xb8;
	[tilespmem:$0x3480] =	vst v63  }
0x43: {  	s28 =	simm.s32 $0x2A00  }
0x44: {  	[tilespmem:s28], [sflag:$0x6] =	stream.indirect.gather [hbm4b:s3+s15], $0x1, s18, s15, $0xb8;
	[tilespmem:$0x3480] =	vst v63  }
0x45: {  	s28 =	simm.s32 $0x2C00  }
0x46: {  	[tilespmem:s28], [sflag:$0x6] =	stream.indirect.gather [hbm4b:s3+s15], $0x1, s19, s15, $0xb8;
	[tilespmem:$0x3480] =	vst v63  }
0x47: {  	s28 =	simm.s32 $0x2E00  }
0x48: {  	[tilespmem:s28], [sflag:$0x6] =	stream.indirect.gather [hbm4b:s4+s15], $0x1, s17, s15, $0xb8;
	[tilespmem:$0x3480] =	vst v63  }
0x49: {  	s28 =	simm.s32 $0x3000  }
0x4a: {  	[tilespmem:s28], [sflag:$0x6] =	stream.indirect.gather [hbm4b:s4+s15], $0x1, s18, s15, $0xb8;
	[tilespmem:$0x3480] =	vst v63  }
0x4b: {  	s28 =	simm.s32 $0x3200  }
0x4c: {  	[tilespmem:s28], [sflag:$0x6] =	stream.indirect.gather [hbm4b:s4+s15], $0x1, s19, s15, $0xb8;
	[tilespmem:$0x3480] =	vst v63  }
0x4d: {  	_ =	swait.ge [sflag:s30], $0x200  }
0x4e: {  	[sflag:s30] =	ssyncset.done $0x0  }
0x4f: {  	[sflag:s30] =	ssyncadd.s32 $0xFFFFFE00  }
0x50: {  	_ =	swait.ge [sflag:s30], $0x200  }
0x51: {  	[sflag:s30] =	ssyncset.done $0x0  }
0x52: {  	[sflag:s30] =	ssyncadd.s32 $0xFFFFFE00  }
0x53: {  	_ =	swait.ge [sflag:s30], $0x200  }
0x54: {  	[sflag:s30] =	ssyncset.done $0x0  }
0x55: {  	[sflag:s30] =	ssyncadd.s32 $0xFFFFFE00  }
0x56: {  	_ =	swait.ge [sflag:s30], $0x200  }
0x57: {  	[sflag:s30] =	ssyncset.done $0x0  }
0x58: {  	[sflag:s30] =	ssyncadd.s32 $0xFFFFFE00  }
0x59: {  	_ =	swait.ge [sflag:s30], $0x200  }
0x5a: {  	[sflag:s30] =	ssyncset.done $0x0  }
0x5b: {  	[sflag:s30] =	ssyncadd.s32 $0xFFFFFE00  }
0x5c: {  	_ =	swait.ge [sflag:s30], $0x200  }
0x5d: {  	[sflag:s30] =	ssyncset.done $0x0  }
0x5e: {  	[sflag:s30] =	ssyncadd.s32 $0xFFFFFE00  }
0x5f: {  	_ =	swait.ge [sflag:s31], $0x800  }
0x60: {  	[sflag:s31] =	ssyncset.done $0x0  }
0x61: {  	[sflag:s31] =	ssyncadd.s32 $0xFFFFF800  }
0x62: {  	v3 =	vld [tilespmem:s6+$0x0]  }
0x63: {  	v2 =	vld [tilespmem:s20+$0x0]  }
0x64: {  	v1 =	vld [tilespmem:s25+$0x0]  }
0x65: {  	v5 =	vld [tilespmem:s26+$0x0]  }
0x66: {  	v6 =	vld [tilespmem:s7+$0x0]  }
0x67: {  	v7 =	vld [tilespmem:s10+$0x0]  }
0x68: {  	s6 =	sand.u32 $0x1F0, s1;
	v8 =	vld [tilespmem:s9+$0x0]  }
0x69: {  	v4 =	vld [tilespmem:s6+$0x1200]  }
0x6a: {  	v10 =	vld [tilespmem:s6+$0xE00]  }
0x6b: {  	v11 =	vld [tilespmem:s6+$0x1000];
	_ =	sdelay $0x1  }
0x6c: {  	v9 =	vsub.f32 v1, v2;
	v12 =	vsub.f32 v5, v2  }
0x6d: {  	v7 =	vsub.f32 v7, v6;
	v13 =	vmul.f32 v4, v3  }
0x6e: {  	v6 =	vsub.f32 v8, v6;
	v14 =	vmul.f32 v10, v12;
	v15 =	vmul.f32 v4, v9  }
0x6f: {  	v8 =	vmul.f32 v11, v9;
	v12 =	vmul.f32 v12, v3  }
0x70: {  	v16 =	vmul.f32 v10, v7;
	v4 =	vmul.f32 v4, v6  }
0x71: {  	v6 =	vmul.f32 v11, v6;
	v3 =	vmul.f32 v3, v7  }
0x72: {  	v7 =	vmul.f32 v11, v10;
	v9 =	vsub.f32 v14, v15;
	v8 =	vsub.f32 v8, v12  }
0x73: {  	v11 =	vsub.f32 v16, v4;
	v10 =	vsub.f32 v6, v3  }
0x74: {  	v7 =	vsub.f32 v13, v7;
	v3 =	vmul.f32 v9, v9;
	v4 =	vmul.f32 v8, v8  }
0x75: {  	s20 =	simm.s32 $0x1C10;
	v6 =	vmul.f32 v11, v11;
	v12 =	vmul.f32 v10, v10  }
0x76: {  	s9 =	simm.s32 $0x10;
	v18 =	vld [tilespmem:s20+$0x0];
	s6 =	simm.s32 $0x2010;
	v13 =	vmul.f32 v7, v7;
	v4 =	vadd.f32 v3, v4  }
0x77: {  	s10 =	sand.u32 $0x1F0, s9;
	v21 =	vld [tilespmem:s6+$0x0];
	v16 =	vadd.f32 v6, v12  }
0x78: {  	s26 =	simm.s32 $0x2210;
	v20 =	vld [tilespmem:s10+$0xE00];
	v12 =	vadd.f32 v4, v13  }
0x79: {  	s28 =	simm.s32 $0x2410;
	v3 =	vld [tilespmem:s26+$0x0];
	v13 =	vadd.f32 v16, v13  }
0x7a: {  	v6 =	vld [tilespmem:s28+$0x0];
	v17 =	vmax.f32 v12, $1.000000020e-24  }
0x7b: {  	s29 =	simm.s32 $0x2610;
	v14 =	vld [tilespmem:s10+$0x1200];
	v13 =	vmax.f32 v13, $1.000000020e-24;
	v16 =	vmul.f32 $5.000000000e-01, v17  }
0x7c: {  	s25 =	simm.s32 $0xC10;
	v4 =	vld [tilespmem:s29+$0x0];
	v19 =	vshra.s32 v17, $0x1;
	v17 =	vmul.f32 $5.000000000e-01, v13;
	v13 =	vshra.s32 v13, $0x1  }
0x7d: {  	v15 =	vld [tilespmem:s25+$0x0];
	v22 =	vsub.s32 $0x5F3759DF, v19;
	v13 =	vsub.s32 $0x5F3759DF, v13  }
0x7e: {  	v23 =	vld [tilespmem:s10+$0x1000];
	v19 =	vmul.f32 v22, v16;
	v24 =	vmul.f32 v13, v17  }
0x7f: {  	s7 =	simm.s32 $0x1E10;
	v27 =	vsub.f32 v6, v3  }
0x80: {  	v26 =	vld [tilespmem:s7+$0x0];
	v25 =	vmul.f32 v22, v19;
	v24 =	vmul.f32 v13, v24  }
0x81: {  	v28 =	vsub.f32 v4, v3;
	v33 =	vmul.f32 v14, v27  }
0x82: {  	v19 =	vmul.f32 v14, v15;
	v29 =	vsub.f32 $1.500000000e+00, v25;
	v30 =	vsub.f32 $1.500000000e+00, v24  }
0x83: {  	v32 =	vmul.f32 v20, v28;
	v24 =	vsub.f32 v21, v18;
	v25 =	vmul.f32 v23, v27  }
0x84: {  	v21 =	vmul.f32 v22, v29;
	v22 =	vmul.f32 v13, v30  }
0x85: {  	v13 =	vsub.f32 v26, v18;
	v30 =	vmul.f32 v28, v15;
	v28 =	vmul.f32 v20, v24  }
0x86: {  	v18 =	vsub.f32 v32, v33;
	v26 =	vmul.f32 v21, v16;
	v27 =	vmul.f32 v22, v17  }
0x87: {  	v31 =	vmul.f32 v14, v13;
	v29 =	vmul.f32 v23, v13;
	v14 =	vimm.f32 $0.0e+00  }
0x88: {  	s9 =	simm.s32 $0x20;
	v13 =	vimm.f32 $0.0e+00;
	v26 =	vmul.f32 v26, v21;
	v27 =	vmul.f32 v27, v22  }
.LBB2_2:
0x89: {  	p0 =	sne.s32 s9, $0x1F0;
	v25 =	vsub.f32 v25, v30;
	v28 =	vsub.f32 v28, v31;
	v24 =	vmul.f32 v15, v24  }
0x8a: {  	v20 =	vmul.f32 v23, v20;
	s25 =	sadd.s32 $0x10, s25;
	v23 =	vsub.f32 $1.500000000e+00, v26;
	v26 =	vsub.f32 $1.500000000e+00, v27  }
0x8b: {  	s10 =	sand.u32 $0x1F0, s9;
	v27 =	vmul.f32 v18, v18;
	v15 =	vld [tilespmem:s25+$0x0];
	v24 =	vsub.f32 v29, v24;
	v29 =	vmul.f32 v25, v25  }
0x8c: {  	s26 =	sadd.s32 $0x10, s26;
	v31 =	vld [tilespmem:s10+$0x1200];
	v21 =	vmul.f32 v23, v21;
	v22 =	vmul.f32 v26, v22  }
0x8d: {  	s28 =	sadd.s32 $0x10, s28;
	v26 =	vsub.f32 v19, v20;
	v19 =	vmul.f32 v28, v28;
	v23 =	vld [tilespmem:s26+$0x0];
	v20 =	vmul.f32 v24, v24  }
0x8e: {  	v30 =	vld [tilespmem:s28+$0x0];
	v16 =	vmul.f32 v21, v16;
	v17 =	vmul.f32 v22, v17  }
0x8f: {  	s29 =	sadd.s32 $0x10, s29;
	v27 =	vadd.f32 v27, v29;
	v29 =	vmul.f32 v26, v26;
	v19 =	vadd.f32 v19, v20  }
0x90: {  	vm0 =	vgt.f32 v5, $0.0e+00;
	v5 =	vmovc v4;
	v16 =	vmul.f32 v16, v21;
	v17 =	vmul.f32 v17, v22;
	v4 =	vld [tilespmem:s29+$0x0]  }
0x91: {  	vm1 =	vgt.f32 v1, $0.0e+00;
	v1 =	vmovc v6;
	v27 =	vadd.f32 v27, v29;
	v20 =	vadd.f32 v19, v29  }
0x92: {  	vm2 =	vgt.f32 v2, $0.0e+00;
	v2 =	vmovc v3;
	v16 =	vsub.f32 $1.500000000e+00, v16;
	v17 =	vsub.f32 $1.500000000e+00, v17;
	v3 =	vmovc v23  }
0x93: {  	v19 =	vmul.f32 v31, v15;
	v23 =	vmax.f32 v27, $1.000000020e-24;
	v29 =	vsub.f32 v30, v3;
	v6 =	vmovc v30  }
0x94: {  	v20 =	vmax.f32 v20, $1.000000020e-24;
	v21 =	vmul.f32 v16, v21;
	v22 =	vmul.f32 v17, v22  }
0x95: {  	s20 =	sadd.s32 $0x10, s20;
	v16 =	vmul.f32 $5.000000000e-01, v23;
	v17 =	vmul.f32 $5.000000000e-01, v20;
	v30 =	vsub.f32 v4, v3  }
0x96: {  	s6 =	sadd.s32 $0x10, s6;
	v23 =	vshra.s32 v23, $0x1;
	v32 =	vld [tilespmem:s20+$0x0];
	v33 =	vmul.f32 v22, v11;
	v34 =	vmul.f32 v21, v9;
	v11 =	vmovc v28;
	v9 =	vmovc v18  }
0x97: {  	v20 =	vshra.s32 v20, $0x1;
	v28 =	vmul.f32 v22, v10;
	v35 =	vmul.f32 v21, v8;
	v8 =	vmovc v25;
	v10 =	vmovc v24;
	v18 =	vld [tilespmem:s6+$0x0]  }
0x98: {  	v36 =	vsub.s32 $0x5F3759DF, v23;
	v37 =	vsub.s32 $0x5F3759DF, v20;
	v22 =	vmul.f32 v22, v7  }
0x99: {  	v21 =	vmul.f32 v21, v7;
	v7 =	vmovc v26;
	v24 =	vsub.f32 v33, v34;
	v25 =	vsub.f32 v28, v35;
	v20 =	vld [tilespmem:s10+$0xE00]  }
0x9a: {  	vm3 =	vgt.f32 v12, $1.000000070e-02;
	v12 =	vmovc v27;
	v26 =	vmul.f32 v36, v16;
	v28 =	vmul.f32 v37, v17  }
0x9b: {  	v21 =	vsub.f32 v22, v21;
	v27 =	vand.u32 $0x7FFFFFFF, v24;
	v25 =	vand.u32 $0x7FFFFFFF, v25;
	v23 =	vld [tilespmem:s10+$0x1000]  }
0x9c: {  	s7 =	sadd.s32 $0x10, s7;
	vm2 =	vmand vm2, vm3;
	v24 =	vsub.f32 v18, v32;
	v18 =	vadd.f32 v25, v27  }
0x9d: {  	v22 =	vmul.f32 v36, v26;
	v21 =	vand.u32 $0x7FFFFFFF, v21;
	v25 =	vmul.f32 v37, v28;
	v27 =	vld [tilespmem:s7+$0x0]  }
0x9e: {  	vm1 =	vmand vm1, vm2;
	v26 =	vmul.f32 v20, v30;
	v18 =	vadd.f32 v18, v21  }
0x9f: {  	vm0 =	vmand vm0, vm1;
	v21 =	vsub.f32 $1.500000000e+00, v22;
	v22 =	vsub.f32 $1.500000000e+00, v25  }
0xa0: {  	v33 =	vmul.f32 v31, v29;
	v25 =	vmul.f32 v23, v29;
	v18 =	vnsel vm0, $0x0, v18  }
.Ltmp0:
0xa1: {  	v21 =	vmul.f32 v36, v21;
	v22 =	vmul.f32 v37, v22;
	v14 =	vadd.f32 v18, v14;
	(pc) =	sbr.rel @p0 .LBB2_2-.Ltmp0, $4  }
0xa2: {  	v30 =	vmul.f32 v30, v15;
	v28 =	vmul.f32 v20, v24;
	v18 =	vsub.f32 v27, v32  }
0xa3: {  	v34 =	vsel vm0, $0x3F800000, v0;
	v27 =	vmul.f32 v21, v16;
	v32 =	vmul.f32 v22, v17  }
0xa4: {  	v13 =	vadd.f32 v34, v13;
	v31 =	vmul.f32 v31, v18;
	v29 =	vmul.f32 v23, v18  }
0xa5: {  	s9 =	sadd.s32 $0x10, s9;
	v18 =	vsub.f32 v26, v33;
	v26 =	vmul.f32 v27, v21;
	v27 =	vmul.f32 v32, v22  }
0xa6: {  	v15 =	vmul.f32 v15, v24  }
0xa7: {  	v24 =	vsub.f32 v25, v30;
	v20 =	vmul.f32 v23, v20  }
0xa8: {  	v23 =	vsub.f32 v28, v31;
	v15 =	vsub.f32 v29, v15  }
0xa9: {  	v25 =	vmul.f32 v18, v18;
	v28 =	vmul.f32 v24, v24;
	v19 =	vsub.f32 v19, v20  }
0xaa: {  	v20 =	vmul.f32 v23, v23;
	v29 =	vmul.f32 v15, v15  }
0xab: {  	v25 =	vadd.f32 v25, v28;
	v28 =	vmul.f32 v19, v19  }
0xac: {  	v20 =	vadd.f32 v20, v29  }
0xad: {  	v25 =	vadd.f32 v25, v28  }
0xae: {  	v20 =	vadd.f32 v20, v28  }
0xaf: {  	v28 =	vmax.f32 v25, $1.000000020e-24  }
0xb0: {  	v29 =	vmul.f32 $5.000000000e-01, v28;
	v28 =	vshra.s32 v28, $0x1;
	v20 =	vmax.f32 v20, $1.000000020e-24  }
0xb1: {  	v28 =	vsub.s32 $0x5F3759DF, v28;
	v30 =	vmul.f32 $5.000000000e-01, v20;
	v20 =	vshra.s32 v20, $0x1  }
0xb2: {  	v31 =	vmul.f32 v28, v29;
	v20 =	vsub.s32 $0x5F3759DF, v20  }
0xb3: {  	v32 =	vmul.f32 v20, v30  }
0xb4: {  	v31 =	vmul.f32 v28, v31  }
0xb5: {  	v27 =	vsub.f32 $1.500000000e+00, v27;
	v32 =	vmul.f32 v20, v32  }
0xb6: {  	v26 =	vsub.f32 $1.500000000e+00, v26;
	v31 =	vsub.f32 $1.500000000e+00, v31  }
0xb7: {  	v22 =	vmul.f32 v27, v22;
	v32 =	vsub.f32 $1.500000000e+00, v32  }
0xb8: {  	v21 =	vmul.f32 v26, v21;
	v26 =	vmul.f32 v28, v31  }
0xb9: {  	v17 =	vmul.f32 v22, v17;
	v20 =	vmul.f32 v20, v32  }
0xba: {  	v16 =	vmul.f32 v21, v16;
	v27 =	vmul.f32 v26, v29  }
0xbb: {  	v17 =	vmul.f32 v17, v22;
	v28 =	vmul.f32 v20, v30  }
0xbc: {  	v16 =	vmul.f32 v16, v21;
	v27 =	vmul.f32 v27, v26  }
0xbd: {  	v17 =	vsub.f32 $1.500000000e+00, v17;
	v28 =	vmul.f32 v28, v20  }
0xbe: {  	v16 =	vsub.f32 $1.500000000e+00, v16;
	v27 =	vsub.f32 $1.500000000e+00, v27  }
0xbf: {  	v17 =	vmul.f32 v17, v22;
	v28 =	vsub.f32 $1.500000000e+00, v28  }
0xc0: {  	v16 =	vmul.f32 v16, v21;
	v21 =	vmul.f32 v27, v26  }
0xc1: {  	v11 =	vmul.f32 v17, v11;
	v20 =	vmul.f32 v28, v20  }
0xc2: {  	v9 =	vmul.f32 v16, v9;
	v22 =	vmul.f32 v21, v29  }
0xc3: {  	vm0 =	vgt.f32 v5, $0.0e+00;
	v5 =	vmul.f32 v17, v10;
	v26 =	vmul.f32 v20, v30  }
0xc4: {  	vm1 =	vgt.f32 v2, $0.0e+00;
	v8 =	vmul.f32 v16, v8;
	v2 =	vmul.f32 v22, v21  }
0xc5: {  	v17 =	vmul.f32 v17, v7;
	v10 =	vmul.f32 v26, v20  }
0xc6: {  	v7 =	vmul.f32 v16, v7;
	v9 =	vsub.f32 v11, v9;
	v2 =	vsub.f32 $1.500000000e+00, v2  }
0xc7: {  	vm2 =	vgt.f32 v12, $1.000000070e-02;
	v5 =	vsub.f32 v5, v8;
	v8 =	vsub.f32 $1.500000000e+00, v10  }
0xc8: {  	vm3 =	vgt.f32 v1, $0.0e+00;
	v7 =	vsub.f32 v17, v7;
	v2 =	vmul.f32 v2, v21  }
0xc9: {  	v9 =	vand.u32 $0x7FFFFFFF, v9;
	v5 =	vand.u32 $0x7FFFFFFF, v5;
	v8 =	vmul.f32 v8, v20  }
0xca: {  	v1 =	vadd.f32 v5, v9;
	v9 =	vmul.f32 v2, v18;
	v11 =	vmul.f32 v2, v24  }
0xcb: {  	v5 =	vand.u32 $0x7FFFFFFF, v7;
	v7 =	vmul.f32 v8, v23;
	v10 =	vmul.f32 v8, v15  }
0xcc: {  	vm11 =	vgt.f32 v3, $0.0e+00;
	v1 =	vadd.f32 v1, v5;
	v2 =	vmul.f32 v2, v19  }
0xcd: {  	v5 =	vmul.f32 v8, v19;
	v7 =	vsub.f32 v7, v9;
	v8 =	vsub.f32 v10, v11  }
0xce: {  	vm13 =	vgt.f32 v6, $0.0e+00;
	vm14 =	vgt.f32 v4, $0.0e+00;
	vm1 =	vmand vm1, vm2  }
0xcf: {  	v2 =	vsub.f32 v5, v2;
	v7 =	vand.u32 $0x7FFFFFFF, v7;
	v8 =	vand.u32 $0x7FFFFFFF, v8  }
0xd0: {  	vm1 =	vmand vm3, vm1;
	vm12 =	vgt.f32 v25, $1.000000070e-02;
	v3 =	vadd.f32 v8, v7  }
0xd1: {  	vm0 =	vmand vm0, vm1;
	vm1 =	vmand vm11, vm12;
	v2 =	vand.u32 $0x7FFFFFFF, v2  }
0xd2: {  	vm1 =	vmand vm13, vm1;
	v1 =	vnsel vm0, $0x0, v1;
	v2 =	vadd.f32 v3, v2;
	v3 =	vld [tilespmem:$0x3400]  }
0xd3: {  	v4 =	vsel vm0, $0x3F800000, v0;
	vm15 =	vmand vm14, vm1;
	v1 =	vadd.f32 v1, v14;
	v5 =	vld [tilespmem:$0x3410]  }
0xd4: {  	v4 =	vadd.f32 v4, v13;
	v2 =	vnsel vm15, $0x0, v2  }
0xd5: {  	v1 =	vadd.f32 v2, v1;
	v2 =	vsel vm15, $0x3F800000, v0  }
0xd6: {  	v2 =	vadd.f32 v2, v4  }
0xd7: {  	v1 =	vadd.f32 v3, v1  }
0xd8: {  	v2 =	vadd.f32 v5, v2  }
0xd9: {  	[tilespmem:$0x3400] =	vst v1  }
0xda: {  	[tilespmem:$0x3410] =	vst v2  }
0xdb: {  	_ =	swait.ge [sflag:s0], $0x200  }
0xdc: {  	[sflag:s0] =	ssyncset.done $0x0  }
0xdd: {  	[sflag:s0] =	ssyncadd.s32 $0xFFFFFE00  }
0xde: {  	_ =	swait.ge [sflag:s0], $0x200  }
0xdf: {  	[sflag:s0] =	ssyncset.done $0x0  }
0xe0: {  	[sflag:s0] =	ssyncadd.s32 $0xFFFFFE00  }
0xe1: {  	_ =	swait.ge [sflag:s0], $0x200  }
0xe2: {  	[sflag:s0] =	ssyncset.done $0x0  }
0xe3: {  	[sflag:s0] =	ssyncadd.s32 $0xFFFFFE00  }
0xe4: {  	_ =	swait.ge [sflag:s0], $0x200  }
0xe5: {  	[sflag:s0] =	ssyncset.done $0x0  }
0xe6: {  	[sflag:s0] =	ssyncadd.s32 $0xFFFFFE00  }
0xe7: {  	_ =	swait.ge [sflag:s0], $0x200  }
0xe8: {  	[sflag:s0] =	ssyncset.done $0x0  }
0xe9: {  	[sflag:s0] =	ssyncadd.s32 $0xFFFFFE00  }
0xea: {  	_ =	swait.ge [sflag:s0], $0x200  }
0xeb: {  	[sflag:s0] =	ssyncset.done $0x0  }
0xec: {  	[sflag:s0] =	ssyncadd.s32 $0xFFFFFE00  }
0xed: {  	_ =	swait.ge [sflag:s2], $0x800  }
0xee: {  	[sflag:s2] =	ssyncset.done $0x0  }
0xef: {  	s6 =	simm.s32 $0x0;
	s7 =	simm.s32 $0x1400;
	[sflag:s2] =	ssyncadd.s32 $0xFFFFF800  }
0xf0: {  	s6 =	sand.u32 $0x1F0, s6;
	v6 =	vld [tilespmem:s7+$0x0]  }
0xf1: {  	s26 =	simm.s32 $0x2E00;
	v7 =	vld [tilespmem:s6+$0x1A00]  }
0xf2: {  	s9 =	simm.s32 $0x3000;
	v4 =	vld [tilespmem:s26+$0x0]  }
0xf3: {  	s10 =	simm.s32 $0x3200;
	v3 =	vld [tilespmem:s9+$0x0]  }
0xf4: {  	s20 =	simm.s32 $0x2800;
	v5 =	vld [tilespmem:s10+$0x0]  }
0xf5: {  	s25 =	simm.s32 $0x2C00;
	v8 =	vld [tilespmem:s20+$0x0]  }
0xf6: {  	v9 =	vld [tilespmem:s25+$0x0]  }
0xf7: {  	v12 =	vld [tilespmem:s6+$0x1600]  }
0xf8: {  	s26 =	simm.s32 $0x2A00;
	v13 =	vld [tilespmem:s6+$0x1800]  }
0xf9: {  	v10 =	vld [tilespmem:s26+$0x0];
	_ =	sdelay $0x1  }
0xfa: {  	v11 =	vsub.f32 v3, v4;
	v14 =	vsub.f32 v5, v4  }
0xfb: {  	v15 =	vmul.f32 v7, v6  }
0xfc: {  	v9 =	vsub.f32 v9, v8;
	v16 =	vmul.f32 v12, v14;
	v17 =	vmul.f32 v7, v11  }
0xfd: {  	v8 =	vsub.f32 v10, v8;
	v10 =	vmul.f32 v13, v11;
	v14 =	vmul.f32 v14, v6  }
0xfe: {  	v18 =	vmul.f32 v12, v9;
	v6 =	vmul.f32 v6, v9  }
0xff: {  	v7 =	vmul.f32 v7, v8;
	v8 =	vmul.f32 v13, v8  }
0x100: {  	v9 =	vmul.f32 v13, v12;
	v11 =	vsub.f32 v16, v17;
	v10 =	vsub.f32 v10, v14  }
0x101: {  	v13 =	vsub.f32 v18, v7;
	v12 =	vsub.f32 v8, v6  }
0x102: {  	v9 =	vsub.f32 v15, v9;
	v6 =	vmul.f32 v11, v11;
	v7 =	vmul.f32 v10, v10  }
0x103: {  	s20 =	simm.s32 $0x2810;
	v8 =	vmul.f32 v13, v13;
	v14 =	vmul.f32 v12, v12  }
0x104: {  	s9 =	simm.s32 $0x10;
	s6 =	simm.s32 $0x2C10;
	v28 =	vld [tilespmem:s20+$0x0];
	v15 =	vmul.f32 v9, v9;
	v7 =	vadd.f32 v6, v7  }
0x105: {  	s10 =	sand.u32 $0x1F0, s9;
	v23 =	vld [tilespmem:s6+$0x0];
	v18 =	vadd.f32 v8, v14  }
0x106: {  	s26 =	simm.s32 $0x2E10;
	v22 =	vld [tilespmem:s10+$0x1600];
	v14 =	vadd.f32 v7, v15  }
0x107: {  	s28 =	simm.s32 $0x3010;
	v6 =	vld [tilespmem:s26+$0x0];
	v15 =	vadd.f32 v18, v15  }
0x108: {  	v8 =	vld [tilespmem:s28+$0x0];
	v20 =	vmax.f32 v14, $1.000000020e-24  }
0x109: {  	s29 =	simm.s32 $0x3210;
	v16 =	vld [tilespmem:s10+$0x1A00];
	v15 =	vmax.f32 v15, $1.000000020e-24;
	v18 =	vmul.f32 $5.000000000e-01, v20  }
0x10a: {  	v7 =	vld [tilespmem:s29+$0x0];
	v20 =	vshra.s32 v20, $0x1;
	v19 =	vmul.f32 $5.000000000e-01, v15;
	v15 =	vshra.s32 v15, $0x1  }
0x10b: {  	s25 =	simm.s32 $0x1410;
	v25 =	vld [tilespmem:s10+$0x1800];
	v20 =	vsub.s32 $0x5F3759DF, v20;
	v15 =	vsub.s32 $0x5F3759DF, v15  }
0x10c: {  	v17 =	vld [tilespmem:s25+$0x0];
	v21 =	vmul.f32 v20, v18;
	v24 =	vmul.f32 v15, v19  }
0x10d: {  	s7 =	simm.s32 $0x2A10;
	v27 =	vsub.f32 v8, v6  }
0x10e: {  	v30 =	vld [tilespmem:s7+$0x0];
	v26 =	vmul.f32 v20, v21;
	v24 =	vmul.f32 v15, v24  }
0x10f: {  	v29 =	vsub.f32 v7, v6;
	v35 =	vmul.f32 v16, v27  }
0x110: {  	v27 =	vmul.f32 v25, v27;
	v31 =	vsub.f32 $1.500000000e+00, v26;
	v24 =	vsub.f32 $1.500000000e+00, v24  }
0x111: {  	v21 =	vmul.f32 v16, v17;
	v34 =	vmul.f32 v22, v29;
	v26 =	vsub.f32 v23, v28  }
0x112: {  	v23 =	vmul.f32 v20, v31;
	v24 =	vmul.f32 v15, v24  }
0x113: {  	v20 =	vsub.f32 v30, v28;
	v31 =	vmul.f32 v29, v17;
	v30 =	vmul.f32 v22, v26  }
0x114: {  	v15 =	vimm.f32 $0.0e+00;
	v28 =	vmul.f32 v23, v18;
	v29 =	vmul.f32 v24, v19  }
0x115: {  	v33 =	vmul.f32 v16, v20;
	v32 =	vmul.f32 v25, v20;
	v20 =	vsub.f32 v34, v35  }
0x116: {  	s9 =	simm.s32 $0x20;
	v16 =	vimm.f32 $0.0e+00;
	v28 =	vmul.f32 v28, v23;
	v29 =	vmul.f32 v29, v24  }
.LBB2_4:
0x117: {  	p0 =	sne.s32 s9, $0x1F0;
	v27 =	vsub.f32 v27, v31;
	v30 =	vsub.f32 v30, v33;
	v26 =	vmul.f32 v17, v26  }
0x118: {  	v22 =	vmul.f32 v25, v22;
	s25 =	sadd.s32 $0x10, s25;
	v25 =	vsub.f32 $1.500000000e+00, v28;
	v28 =	vsub.f32 $1.500000000e+00, v29  }
0x119: {  	s10 =	sand.u32 $0x1F0, s9;
	v29 =	vmul.f32 v20, v20;
	v17 =	vld [tilespmem:s25+$0x0];
	v26 =	vsub.f32 v32, v26;
	v31 =	vmul.f32 v27, v27  }
0x11a: {  	s26 =	sadd.s32 $0x10, s26;
	v32 =	vld [tilespmem:s10+$0x1A00];
	v23 =	vmul.f32 v25, v23;
	v24 =	vmul.f32 v28, v24  }
0x11b: {  	s28 =	sadd.s32 $0x10, s28;
	v28 =	vsub.f32 v21, v22;
	v21 =	vmul.f32 v30, v30;
	v25 =	vld [tilespmem:s26+$0x0];
	v22 =	vmul.f32 v26, v26  }
0x11c: {  	v33 =	vld [tilespmem:s28+$0x0];
	v18 =	vmul.f32 v23, v18;
	v19 =	vmul.f32 v24, v19  }
0x11d: {  	s29 =	sadd.s32 $0x10, s29;
	v29 =	vadd.f32 v29, v31;
	v31 =	vmul.f32 v28, v28;
	v21 =	vadd.f32 v21, v22  }
0x11e: {  	vm0 =	vgt.f32 v5, $0.0e+00;
	v5 =	vmovc v7;
	v18 =	vmul.f32 v18, v23;
	v19 =	vmul.f32 v19, v24;
	v7 =	vld [tilespmem:s29+$0x0]  }
0x11f: {  	vm1 =	vgt.f32 v3, $0.0e+00;
	v3 =	vmovc v8;
	v29 =	vadd.f32 v29, v31;
	v22 =	vadd.f32 v21, v31  }
0x120: {  	vm2 =	vgt.f32 v4, $0.0e+00;
	v4 =	vmovc v6;
	v18 =	vsub.f32 $1.500000000e+00, v18;
	v19 =	vsub.f32 $1.500000000e+00, v19;
	v6 =	vmovc v25  }
0x121: {  	v21 =	vmul.f32 v32, v17;
	v25 =	vmax.f32 v29, $1.000000020e-24;
	v31 =	vsub.f32 v33, v6;
	v8 =	vmovc v33  }
0x122: {  	v22 =	vmax.f32 v22, $1.000000020e-24;
	v23 =	vmul.f32 v18, v23;
	v24 =	vmul.f32 v19, v24  }
0x123: {  	s20 =	sadd.s32 $0x10, s20;
	v18 =	vmul.f32 $5.000000000e-01, v25;
	v19 =	vmul.f32 $5.000000000e-01, v22;
	v33 =	vsub.f32 v7, v6  }
0x124: {  	s6 =	sadd.s32 $0x10, s6;
	v25 =	vshra.s32 v25, $0x1;
	v34 =	vld [tilespmem:s20+$0x0];
	v35 =	vmul.f32 v24, v13;
	v36 =	vmul.f32 v23, v11;
	v13 =	vmovc v30;
	v11 =	vmovc v20  }
0x125: {  	v22 =	vshra.s32 v22, $0x1;
	v30 =	vmul.f32 v24, v12;
	v37 =	vmul.f32 v23, v10;
	v10 =	vmovc v27;
	v12 =	vmovc v26;
	v20 =	vld [tilespmem:s6+$0x0]  }
0x126: {  	v38 =	vsub.s32 $0x5F3759DF, v25;
	v39 =	vsub.s32 $0x5F3759DF, v22;
	v24 =	vmul.f32 v24, v9  }
0x127: {  	v23 =	vmul.f32 v23, v9;
	v9 =	vmovc v28;
	v26 =	vsub.f32 v35, v36;
	v27 =	vsub.f32 v30, v37;
	v22 =	vld [tilespmem:s10+$0x1600]  }
0x128: {  	vm3 =	vgt.f32 v14, $1.000000070e-02;
	v14 =	vmovc v29;
	v28 =	vmul.f32 v38, v18;
	v30 =	vmul.f32 v39, v19  }
0x129: {  	v23 =	vsub.f32 v24, v23;
	v29 =	vand.u32 $0x7FFFFFFF, v26;
	v27 =	vand.u32 $0x7FFFFFFF, v27;
	v25 =	vld [tilespmem:s10+$0x1800]  }
0x12a: {  	s7 =	sadd.s32 $0x10, s7;
	vm2 =	vmand vm2, vm3;
	v26 =	vsub.f32 v20, v34;
	v20 =	vadd.f32 v27, v29  }
0x12b: {  	v24 =	vmul.f32 v38, v28;
	v23 =	vand.u32 $0x7FFFFFFF, v23;
	v27 =	vmul.f32 v39, v30;
	v29 =	vld [tilespmem:s7+$0x0]  }
0x12c: {  	vm1 =	vmand vm1, vm2;
	v28 =	vmul.f32 v22, v33;
	v20 =	vadd.f32 v20, v23  }
0x12d: {  	vm0 =	vmand vm0, vm1;
	v23 =	vsub.f32 $1.500000000e+00, v24;
	v24 =	vsub.f32 $1.500000000e+00, v27  }
0x12e: {  	v35 =	vmul.f32 v32, v31;
	v27 =	vmul.f32 v25, v31;
	v20 =	vnsel vm0, $0x0, v20  }
.Ltmp1:
0x12f: {  	v23 =	vmul.f32 v38, v23;
	v24 =	vmul.f32 v39, v24;
	v15 =	vadd.f32 v20, v15;
	(pc) =	sbr.rel @p0 .LBB2_4-.Ltmp1, $4  }
0x130: {  	v30 =	vmul.f32 v22, v26;
	v31 =	vmul.f32 v33, v17;
	v20 =	vsub.f32 v29, v34  }
0x131: {  	v36 =	vsel vm0, $0x3F800000, v0;
	v29 =	vmul.f32 v23, v18;
	v34 =	vmul.f32 v24, v19  }
0x132: {  	v16 =	vadd.f32 v36, v16;
	v33 =	vmul.f32 v32, v20;
	v32 =	vmul.f32 v25, v20  }
0x133: {  	s9 =	sadd.s32 $0x10, s9;
	v20 =	vsub.f32 v28, v35;
	v28 =	vmul.f32 v29, v23;
	v29 =	vmul.f32 v34, v24  }
0x134: {  	v17 =	vmul.f32 v17, v26  }
0x135: {  	v62 =	vsub.f32 v27, v31;
	v22 =	vmul.f32 v25, v22  }
0x136: {  	v63 =	vsub.f32 v30, v33;
	v17 =	vsub.f32 v32, v17  }
0x137: {  	v34 =	vmul.f32 v20, v20;
	v35 =	vmul.f32 v62, v62;
	v21 =	vsub.f32 v21, v22  }
0x138: {  	v36 =	vmul.f32 v63, v63;
	v37 =	vmul.f32 v17, v17  }
0x139: {  	v27 =	vadd.f32 v34, v35;
	v38 =	vmul.f32 v21, v21  }
0x13a: {  	v22 =	vadd.f32 v36, v37  }
0x13b: {  	v27 =	vadd.f32 v27, v38  }
0x13c: {  	v22 =	vadd.f32 v22, v38  }
0x13d: {  	v39 =	vmax.f32 v27, $1.000000020e-24  }
0x13e: {  	v40 =	vmul.f32 $5.000000000e-01, v39;
	v30 =	vshra.s32 v39, $0x1;
	v22 =	vmax.f32 v22, $1.000000020e-24  }
0x13f: {  	v30 =	vsub.s32 $0x5F3759DF, v30;
	v41 =	vmul.f32 $5.000000000e-01, v22;
	v22 =	vshra.s32 v22, $0x1  }
0x140: {  	v42 =	vmul.f32 v30, v40;
	v22 =	vsub.s32 $0x5F3759DF, v22  }
0x141: {  	v34 =	vmul.f32 v22, v41  }
0x142: {  	v33 =	vmul.f32 v30, v42  }
0x143: {  	v34 =	vmul.f32 v22, v34  }
0x144: {  	v33 =	vsub.f32 $1.500000000e+00, v33  }
0x145: {  	v34 =	vsub.f32 $1.500000000e+00, v34  }
0x146: {  	v43 =	vmul.f32 v30, v33  }
0x147: {  	v29 =	vsub.f32 $1.500000000e+00, v29;
	v22 =	vmul.f32 v22, v34  }
0x148: {  	v28 =	vsub.f32 $1.500000000e+00, v28;
	v44 =	vmul.f32 v43, v40  }
0x149: {  	v24 =	vmul.f32 v29, v24;
	v45 =	vmul.f32 v22, v41  }
0x14a: {  	v23 =	vmul.f32 v28, v23;
	v29 =	vmul.f32 v44, v43  }
0x14b: {  	v19 =	vmul.f32 v24, v19;
	v30 =	vmul.f32 v45, v22  }
0x14c: {  	v18 =	vmul.f32 v23, v18;
	v29 =	vsub.f32 $1.500000000e+00, v29  }
0x14d: {  	v19 =	vmul.f32 v19, v24;
	v30 =	vsub.f32 $1.500000000e+00, v30  }
0x14e: {  	vm0 =	vgt.f32 v5, $0.0e+00;
	v18 =	vmul.f32 v18, v23;
	v46 =	vmul.f32 v29, v43  }
0x14f: {  	vm1 =	vgt.f32 v4, $0.0e+00;
	v19 =	vsub.f32 $1.500000000e+00, v19;
	v22 =	vmul.f32 v30, v22  }
0x150: {  	vm2 =	vgt.f32 v14, $1.000000070e-02;
	v18 =	vsub.f32 $1.500000000e+00, v18;
	v47 =	vmul.f32 v46, v40  }
0x151: {  	vm3 =	vgt.f32 v3, $0.0e+00;
	v19 =	vmul.f32 v19, v24;
	v48 =	vmul.f32 v22, v41  }
0x152: {  	vm11 =	vgt.f32 v6, $0.0e+00;
	v18 =	vmul.f32 v18, v23;
	v50 =	vmul.f32 v47, v46  }
0x153: {  	vm13 =	vgt.f32 v8, $0.0e+00;
	v13 =	vmul.f32 v19, v13;
	v51 =	vmul.f32 v48, v22  }
0x154: {  	v11 =	vmul.f32 v18, v11;
	v49 =	vmul.f32 v19, v12;
	v4 =	vsub.f32 $1.500000000e+00, v50  }
0x155: {  	v10 =	vmul.f32 v18, v10;
	v19 =	vmul.f32 v19, v9;
	v53 =	vsub.f32 $1.500000000e+00, v51  }
0x156: {  	vm1 =	vmand vm1, vm2;
	v52 =	vmul.f32 v18, v9;
	v4 =	vmul.f32 v4, v46  }
0x157: {  	v11 =	vsub.f32 v13, v11;
	v5 =	vsub.f32 v49, v10;
	v10 =	vmul.f32 v53, v22  }
0x158: {  	v9 =	vsub.f32 v19, v52;
	v56 =	vmul.f32 v4, v20;
	v58 =	vmul.f32 v4, v62  }
0x159: {  	v11 =	vand.u32 $0x7FFFFFFF, v11;
	v55 =	vmul.f32 v10, v63;
	v57 =	vmul.f32 v10, v17  }
0x15a: {  	v5 =	vand.u32 $0x7FFFFFFF, v5;
	v54 =	vand.u32 $0x7FFFFFFF, v9;
	v4 =	vmul.f32 v4, v21  }
0x15b: {  	v59 =	vmul.f32 v10, v21;
	v9 =	vsub.f32 v55, v56;
	v60 =	vsub.f32 v57, v58  }
0x15c: {  	vm14 =	vgt.f32 v7, $0.0e+00;
	vm1 =	vmand vm3, vm1;
	v3 =	vadd.f32 v5, v11  }
0x15d: {  	v4 =	vsub.f32 v59, v4;
	v9 =	vand.u32 $0x7FFFFFFF, v9;
	v10 =	vand.u32 $0x7FFFFFFF, v60  }
0x15e: {  	vm12 =	vgt.f32 v27, $1.000000070e-02;
	v3 =	vadd.f32 v3, v54;
	v61 =	vadd.f32 v10, v9  }
0x15f: {  	vm0 =	vmand vm0, vm1;
	vm1 =	vmand vm11, vm12;
	v4 =	vand.u32 $0x7FFFFFFF, v4  }
0x160: {  	vm1 =	vmand vm13, vm1;
	v3 =	vnsel vm0, $0x0, v3;
	v4 =	vadd.f32 v61, v4  }
0x161: {  	vm15 =	vmand vm14, vm1;
	v3 =	vadd.f32 v3, v15;
	v62 =	vsel vm0, $0x3F800000, v0  }
0x162: {  	v5 =	vadd.f32 v62, v16;
	v4 =	vnsel vm15, $0x0, v4  }
0x163: {  	v63 =	vsel vm15, $0x3F800000, v0;
	v3 =	vadd.f32 v4, v3  }
0x164: {  	v4 =	vadd.f32 v63, v5  }
0x165: {  	v1 =	vadd.f32 v3, v1  }
0x166: {  	s24 =	sadd.s32 $0x1, s24;
	v2 =	vadd.f32 v4, v2  }
0x167: {  	p0 =	sne.s32 s24, s14;
	[tilespmem:$0x3400] =	vst v1  }
.Ltmp2:
0x168: {  	s6 =	simm.s32 $0x3400;
	[tilespmem:$0x3410] =	vst v2;
	(pc) =	sbr.rel @p0 .LBB2_1-.Ltmp2, $4  }
0x169: {  	[hbm4b:s13+s1] =	stream.linear.scatter [tilespmem:s6], [sflag:$0x7], $0x80, $0x38;
	[tilespmem:$0x3480] =	vst v63  }
0x16a: {  	_ =	swait.ge [sflag:s23], $0x80  }
0x16b: {  	[sflag:s23] =	ssyncset.done $0x0  }
0x16c: {  	[sflag:s23] =	ssyncadd.s32 $0xFFFFFF80  }
0x16d: {  	_ =	sfence.sel $0x180000  }
0x16e: {  	[bflag:$0x0] =	sbarrier.arrive $0xFFFF  }
0x16f: {  	_ =	strace $0x90000047  }
0x170: {  	s0 =	stileid.u32;
	[bflag:$0x2] =	sbarrier.arrive $0xFFFF  }
0x171: {  	p0 =	sne.s32 s0, $0x0;
	s0 =	rddreg [dreg:$0x1]  }
0x172: {  	s0 =	sadd.s32 @!p0 $0x100000, s0  }
0x173: {  	[sflag:s0] =	ssyncadd.tile.s32 @!p0 $0x1;
	_ =	shalt  }
.Lfunc_end2:
_tile_overlayer_lowered:
.L_overlay_start_2:
0x174: {  	(tag) =	ssettag $0x2  }
0x175: {  	s0 =	rddreg [dreg:$0x0];
	s2 =	stileid.u32  }
0x176: {  	s1 =	rddreg [dreg:$0x1];
	p0 =	sne.s32 s2, $0x0  }
0x177: {  	s3 =	rddreg [dreg:$0x2];
	[bflag:$0x3] =	sbarrier.arrive $0xFFFF;
	s2 =	simm.s32 @!p0 $0x1C07  }
0x178: {  	[timem:s3], [sflag:s2] =	dma.local @!p0 [hbm:s0], s1  }
0x179: {  	s0 =	simm.s32 @!p0 $0x7  }
0x17a: {  	_ =	swait.ge @!p0 [sflag:s0], s1  }
0x17b: {  	s1 =	ssub.s32 @!p0 $0x0, s1;
	[sflag:s0] =	ssyncset.done @!p0 $0x0  }
0x17c: {  	[sflag:s0] =	ssyncadd.s32 @!p0 s1  }
0x17d: {  	[bflag:$0x3] =	sbarrier.arrive $0xFFFF  }
0x17e: {  	_ =	shalt  }

</sc_bundles>
